<compile_context>
chip_gen: v7x
topology: tpu7x:2x2x1
jax: 0.10.2.dev20260603
libtpu: 0.0.44.dev20260713+nightly
codegen_flags: <defaults>
</compile_context>

<pallas_src>
import functools

import jax
import jax.numpy as jnp
from jax import lax
from jax.experimental import pallas as pl
from jax.experimental.pallas import tpu as pltpu
from jax.experimental.pallas import tpu_sc as plsc

_HIDDEN = 128
_N_NODES = 10000
_N_EDGES = 320000

_NC = 2
_NS = 16
_L = 16
_NW = _NC * _NS
_EPW = _N_EDGES // _NW
_UNROLL = 5
_NGRP = 79
_ECHUNK = 6000
_NGA = 48
_GB0 = 46
_NGB = 33


def _proj_body(xf_ref, xt_ref, w_ref, b_ref, p_ref):
    wf = w_ref[:, :_HIDDEN]
    wt = w_ref[:, _HIDDEN:]
    dn = (((1,), (1,)), ((), ()))
    p_ref[:, :_N_NODES] = (
        lax.dot_general(wf, xf_ref[...], dn, preferred_element_type=jnp.float32)
        + b_ref[0, 0]
    )
    p_ref[:, _N_NODES:] = lax.dot_general(
        wt, xt_ref[...], dn, preferred_element_type=jnp.float32
    )


_project = pl.pallas_call(
    _proj_body,
    out_shape=jax.ShapeDtypeStruct((1, 2 * _N_NODES), jnp.float32),
    in_specs=[
        pl.BlockSpec(memory_space=pltpu.VMEM),
        pl.BlockSpec(memory_space=pltpu.VMEM),
        pl.BlockSpec(memory_space=pltpu.VMEM),
        pl.BlockSpec(memory_space=pltpu.SMEM),
    ],
    out_specs=pl.BlockSpec(memory_space=pltpu.VMEM),
)

_mesh = plsc.VectorSubcoreMesh(
    core_axis_name="c", subcore_axis_name="s", num_cores=_NC, num_subcores=_NS
)


@functools.partial(
    pl.kernel,
    mesh=_mesh,
    compiler_params=pltpu.CompilerParams(needs_layout_passes=False),
    out_type=jax.ShapeDtypeStruct((_N_EDGES,), jnp.float32),
    scratch_types=[
        pltpu.VMEM((2 * _N_NODES,), jnp.float32),
        pltpu.VMEM((_NGA, 2, 128), jnp.int32),
        pltpu.VMEM((_NGB, 2, 128), jnp.int32),
        pltpu.VMEM((_EPW,), jnp.float32),
        pltpu.SemaphoreType.DMA,
        pltpu.SemaphoreType.DMA,
    ],
)
def _edge_gather(p_hbm, idx_hbm, out_hbm,
                 p_v, slab_a, slab_b, out_v, sem, sem_out):
    wid = lax.axis_index("s") * _NC + lax.axis_index("c")
    base = wid * _EPW
    g0 = lax.shift_right_logical(base, 7)
    e_off = lax.bitwise_and(base, 127)
    cp_p = pltpu.async_copy(p_hbm.at[0], p_v, sem)
    cp_a = pltpu.async_copy(idx_hbm.at[pl.ds(g0, _NGA)], slab_a, sem)
    cp_b = pltpu.async_copy(idx_hbm.at[pl.ds(g0 + _GB0, _NGB)], slab_b, sem)
    cp_p.wait()
    cp_a.wait()

    @plsc.parallel_loop(0, _ECHUNK, _L * _UNROLL, unroll=2)
    def _gather_a(j):
        for u in range(_UNROLL):
            pos = e_off + j + u * _L
            gl = lax.shift_right_logical(pos, 7)
            c0 = lax.bitwise_and(pos, 127)
            a = plsc.load_gather(p_v, [slab_a[gl, 0, pl.ds(c0, _L)]])
            c = plsc.load_gather(p_v, [slab_a[gl, 1, pl.ds(c0, _L)] + _N_NODES])
            out_v[pl.ds(j + u * _L, _L)] = a + c

    cp_out = pltpu.async_copy(
        out_v.at[pl.ds(0, _ECHUNK)], out_hbm.at[pl.ds(base, _ECHUNK)], sem_out
    )
    cp_b.wait()

    @plsc.parallel_loop(_ECHUNK, _EPW, _L * _UNROLL, unroll=2)
    def _gather_b(j):
        for u in range(_UNROLL):
            pos = e_off + j + u * _L
            gl = lax.shift_right_logical(pos, 7) - _GB0
            c0 = lax.bitwise_and(pos, 127)
            a = plsc.load_gather(p_v, [slab_b[gl, 0, pl.ds(c0, _L)]])
            c = plsc.load_gather(p_v, [slab_b[gl, 1, pl.ds(c0, _L)] + _N_NODES])
            out_v[pl.ds(j + u * _L, _L)] = a + c

    pltpu.sync_copy(
        out_v.at[pl.ds(_ECHUNK, _EPW - _ECHUNK)],
        out_hbm.at[pl.ds(base + _ECHUNK, _EPW - _ECHUNK)],
    )
    cp_out.wait()


def kernel(x_from, x_to, edge_label_index, W, b):
    p = _project(x_from, x_to, W, b.reshape(1, 1))
    idx = edge_label_index.astype(jnp.int32)
    idx3 = jnp.transpose(idx.reshape(2, _N_EDGES // 128, 128), (1, 0, 2))
    return _edge_gather(p, idx3)

# --- scband reference (transcript-rebuilt; emitter-appended) ---
"""Pipeline reference for scband-linear-decoder-70824010711257 (READ-ONLY COPY).

The authoritative reference and input builder live on the scoring server;
editing this copy changes nothing except your own understanding.
"""

import jax, jax.numpy as jnp
import numpy as np

HIDDEN = 128
N_NODES = 10000
N_EDGES = 320000

def setup_inputs(seed: int = 0) -> dict:
    key = jax.random.key(seed)
    k1, k2, k3, k4, k5 = jax.random.split(key, 5)
    x_from = jax.random.normal(k1, (N_NODES, HIDDEN), dtype=jnp.float32)
    x_to = jax.random.normal(k2, (N_NODES, HIDDEN), dtype=jnp.float32)
    edge_label_index = jax.random.randint(k3, (2, N_EDGES), 0, N_NODES, dtype=jnp.int64)
    # Linear(2*hidden_channels, 1): weight [1, 2*H], bias [1] (torch convention)
    bound = 1.0 / np.sqrt(2 * HIDDEN)
    W = jax.random.uniform(k4, (1, 2 * HIDDEN), dtype=jnp.float32, minval=-bound, maxval=bound)
    b = jax.random.uniform(k5, (1,), dtype=jnp.float32, minval=-bound, maxval=bound)
    return {"x_from": x_from, "x_to": x_to, "edge_label_index": edge_label_index, "W": W, "b": b}

def reference(x_from, x_to, edge_label_index, W, b):
    edge_feat_from = jnp.take(x_from, edge_label_index[0], axis=0)
    edge_feat_to = jnp.take(x_to, edge_label_index[1], axis=0)
    a = jnp.concatenate([edge_feat_from, edge_feat_to], axis=-1)
    out = a @ W.T + b
    return jnp.squeeze(out)

if __name__ == "__main__":
    import jax
    _d = setup_inputs()
    print(jax.jit(kernel)(*tuple(_d.values())))

</pallas_src>

<mosaic_0001>
#map = affine_map<(d0, d1) -> (0, 0)>
#map1 = affine_map<(d0, d1) -> (0, 0, 0)>
#map2 = affine_map<(d0, d1) -> (0)>
module attributes {stable_mosaic.version = 14 : i64} {
  func.func @_edge_gather(%arg0: i32, %arg1: i32, %arg2: memref<1x20000xf32, #tpu.memory_space<hbm>>, %arg3: memref<2500x2x128xi32, #tpu.memory_space<hbm>>, %arg4: memref<320000xf32, #tpu.memory_space<hbm>>, %arg5: memref<20000xf32, #tpu.memory_space<vmem>>, %arg6: memref<48x2x128xi32, #tpu.memory_space<vmem>>, %arg7: memref<33x2x128xi32, #tpu.memory_space<vmem>>, %arg8: memref<10000xf32, #tpu.memory_space<vmem>>, %arg9: memref<!tpu.dma_semaphore, #tpu.memory_space<semaphore_mem>>, %arg10: memref<!tpu.dma_semaphore, #tpu.memory_space<semaphore_mem>>) attributes {dimension_semantics = [#tpu.dimension_semantics<core_parallel>, #tpu.dimension_semantics<subcore_parallel>], iteration_bounds = array<i64: 2, 16>, scalar_prefetch = 0 : i64, scratch_operands = 6 : i64, tpu.core_type = #tpu.core_type<sc_vector_subcore>, window_params = [{transform_indices = #map}, {transform_indices = #map1}, {transform_indices = #map2}]} {
    %mul3A = arith.constant 2 : i32
    %mul3A_0 = arith.muli %arg1, %mul3A : i32
    %add3A = arith.addi %mul3A_0, %arg0 : i32
    %mul3A_1 = arith.constant 10000 : i32
    %mul3A_2 = arith.muli %add3A, %mul3A_1 : i32
    %shift_right_logical3A = arith.constant 7 : i32
    %shift_right_logical3A_3 = arith.shrui %mul3A_2, %shift_right_logical3A : i32
    %and3A = arith.constant 127 : i32
    %and3A_4 = arith.andi %mul3A_2, %and3A : i32
    %dma_start3A = arith.constant 0 : i32
    %dma_start3A_5 = arith.constant 0 : i32
    %dma_start3A_6 = tpu.memref_slice %arg2[%dma_start3A, %dma_start3A_5] : memref<1x20000xf32, #tpu.memory_space<hbm>> -> memref<1x20000xf32, #tpu.memory_space<hbm>>
    %dma_start3A_7 = tpu.memref_squeeze %dma_start3A_6 : memref<1x20000xf32, #tpu.memory_space<hbm>> -> memref<20000xf32, #tpu.memory_space<hbm>>
    %dma_start3A_8 = arith.constant 0 : i32
    %dma_start3A_9 = tpu.memref_slice %arg2[%dma_start3A, %dma_start3A_8] : memref<1x20000xf32, #tpu.memory_space<hbm>> -> memref<1x20000xf32, #tpu.memory_space<hbm>>
    %dma_start3A_10 = tpu.memref_squeeze %dma_start3A_9 : memref<1x20000xf32, #tpu.memory_space<hbm>> -> memref<20000xf32, #tpu.memory_space<hbm>>
    tpu.enqueue_dma source(%dma_start3A_10 : memref<20000xf32, #tpu.memory_space<hbm>>) target(%arg5 : memref<20000xf32, #tpu.memory_space<vmem>>) target_semaphore(%arg9 : memref<!tpu.dma_semaphore, #tpu.memory_space<semaphore_mem>>)
    %dma_start3A_11 = arith.constant 0 : i32
    %dma_start3A_12 = arith.constant 0 : i32
    %dma_start3A_13 = tpu.memref_slice %arg3[%shift_right_logical3A_3, %dma_start3A_11, %dma_start3A_12] : memref<2500x2x128xi32, #tpu.memory_space<hbm>> -> memref<48x2x128xi32, #tpu.memory_space<hbm>>
    %dma_start3A_14 = arith.constant 0 : i32
    %dma_start3A_15 = arith.constant 0 : i32
    %dma_start3A_16 = tpu.memref_slice %arg3[%shift_right_logical3A_3, %dma_start3A_14, %dma_start3A_15] : memref<2500x2x128xi32, #tpu.memory_space<hbm>> -> memref<48x2x128xi32, #tpu.memory_space<hbm>>
    tpu.enqueue_dma source(%dma_start3A_16 : memref<48x2x128xi32, #tpu.memory_space<hbm>>) target(%arg6 : memref<48x2x128xi32, #tpu.memory_space<vmem>>) target_semaphore(%arg9 : memref<!tpu.dma_semaphore, #tpu.memory_space<semaphore_mem>>)
    %add3A_17 = arith.constant 46 : i32
    %add3A_18 = arith.addi %shift_right_logical3A_3, %add3A_17 : i32
    %dma_start3A_19 = arith.constant 0 : i32
    %dma_start3A_20 = arith.constant 0 : i32
    %dma_start3A_21 = tpu.memref_slice %arg3[%add3A_18, %dma_start3A_19, %dma_start3A_20] : memref<2500x2x128xi32, #tpu.memory_space<hbm>> -> memref<33x2x128xi32, #tpu.memory_space<hbm>>
    %dma_start3A_22 = arith.constant 0 : i32
    %dma_start3A_23 = arith.constant 0 : i32
    %dma_start3A_24 = tpu.memref_slice %arg3[%add3A_18, %dma_start3A_22, %dma_start3A_23] : memref<2500x2x128xi32, #tpu.memory_space<hbm>> -> memref<33x2x128xi32, #tpu.memory_space<hbm>>
    tpu.enqueue_dma source(%dma_start3A_24 : memref<33x2x128xi32, #tpu.memory_space<hbm>>) target(%arg7 : memref<33x2x128xi32, #tpu.memory_space<vmem>>) target_semaphore(%arg9 : memref<!tpu.dma_semaphore, #tpu.memory_space<semaphore_mem>>)
    %dma_wait3A = arith.constant 0 : i32
    %dma_wait3A_25 = arith.constant 0 : i32
    %dma_wait3A_26 = tpu.memref_slice %arg2[%dma_wait3A, %dma_wait3A_25] : memref<1x20000xf32, #tpu.memory_space<hbm>> -> memref<1x20000xf32, #tpu.memory_space<hbm>>
    %dma_wait3A_27 = tpu.memref_squeeze %dma_wait3A_26 : memref<1x20000xf32, #tpu.memory_space<hbm>> -> memref<20000xf32, #tpu.memory_space<hbm>>
    %dma_wait3A_28 = arith.constant 0 : i32
    %dma_wait3A_29 = tpu.memref_slice %arg2[%dma_wait3A, %dma_wait3A_28] : memref<1x20000xf32, #tpu.memory_space<hbm>> -> memref<1x20000xf32, #tpu.memory_space<hbm>>
    %dma_wait3A_30 = tpu.memref_squeeze %dma_wait3A_29 : memref<1x20000xf32, #tpu.memory_space<hbm>> -> memref<20000xf32, #tpu.memory_space<hbm>>
    tpu.wait_dma2 semaphore(%arg9 : memref<!tpu.dma_semaphore, #tpu.memory_space<semaphore_mem>>) src(%dma_wait3A_30 : memref<20000xf32, #tpu.memory_space<hbm>>) dst(%arg5 : memref<20000xf32, #tpu.memory_space<vmem>>)
    %dma_wait3A_31 = arith.constant 0 : i32
    %dma_wait3A_32 = arith.constant 0 : i32
    %dma_wait3A_33 = tpu.memref_slice %arg3[%shift_right_logical3A_3, %dma_wait3A_31, %dma_wait3A_32] : memref<2500x2x128xi32, #tpu.memory_space<hbm>> -> memref<48x2x128xi32, #tpu.memory_space<hbm>>
    %dma_wait3A_34 = arith.constant 0 : i32
    %dma_wait3A_35 = arith.constant 0 : i32
    %dma_wait3A_36 = tpu.memref_slice %arg3[%shift_right_logical3A_3, %dma_wait3A_34, %dma_wait3A_35] : memref<2500x2x128xi32, #tpu.memory_space<hbm>> -> memref<48x2x128xi32, #tpu.memory_space<hbm>>
    tpu.wait_dma2 semaphore(%arg9 : memref<!tpu.dma_semaphore, #tpu.memory_space<semaphore_mem>>) src(%dma_wait3A_36 : memref<48x2x128xi32, #tpu.memory_space<hbm>>) dst(%arg6 : memref<48x2x128xi32, #tpu.memory_space<vmem>>)
    %parallel_loop3A = arith.constant 0 : i32
    %parallel_loop3A_37 = arith.constant 6000 : i32
    %parallel_loop3A_38 = arith.constant 80 : i32
    scf.for %parallel_loop3A_62 = %parallel_loop3A to %parallel_loop3A_37 step %parallel_loop3A_38  : i32 {
      %parallel_loop3A_63 = arith.addi %and3A_4, %parallel_loop3A_62 : i32
      %parallel_loop3A_64 = arith.constant 0 : i32
      %parallel_loop3A_65 = arith.addi %parallel_loop3A_63, %parallel_loop3A_64 : i32
      %parallel_loop3A_66 = arith.constant 7 : i32
      %parallel_loop3A_67 = arith.shrui %parallel_loop3A_65, %parallel_loop3A_66 : i32
      %parallel_loop3A_68 = arith.constant 127 : i32
      %parallel_loop3A_69 = arith.andi %parallel_loop3A_65, %parallel_loop3A_68 : i32
      %parallel_loop3A_70 = arith.constant 0 : i32
      %parallel_loop3A_71 = arith.index_cast %parallel_loop3A_67 : i32 to index
      %parallel_loop3A_72 = arith.index_cast %parallel_loop3A_70 : i32 to index
      %parallel_loop3A_73 = arith.index_cast %parallel_loop3A_69 : i32 to index
      %parallel_loop3A_74 = tpu.vector_load %arg6[%parallel_loop3A_71, %parallel_loop3A_72, %parallel_loop3A_73] {strides = array<i32>} : memref<48x2x128xi32, #tpu.memory_space<vmem>>, vector<16xi32>,
      %parallel_loop3A_75 = tpu.vector_load_idx %arg5[%parallel_loop3A_74] : memref<20000xf32, #tpu.memory_space<vmem>>[vector<16xi32>], vector<16xf32>,
      %parallel_loop3A_76 = arith.constant 1 : i32
      %parallel_loop3A_77 = arith.index_cast %parallel_loop3A_67 : i32 to index
      %parallel_loop3A_78 = arith.index_cast %parallel_loop3A_76 : i32 to index
      %parallel_loop3A_79 = arith.index_cast %parallel_loop3A_69 : i32 to index
      %parallel_loop3A_80 = tpu.vector_load %arg6[%parallel_loop3A_77, %parallel_loop3A_78, %parallel_loop3A_79] {strides = array<i32>} : memref<48x2x128xi32, #tpu.memory_space<vmem>>, vector<16xi32>,
      %parallel_loop3A_81 = arith.constant 10000 : i32
      %parallel_loop3A_82 = vector.broadcast %parallel_loop3A_81 : i32 to vector<16xi32>
      %parallel_loop3A_83 = arith.addi %parallel_loop3A_80, %parallel_loop3A_82 : vector<16xi32>
      %parallel_loop3A_84 = tpu.vector_load_idx %arg5[%parallel_loop3A_83] : memref<20000xf32, #tpu.memory_space<vmem>>[vector<16xi32>], vector<16xf32>,
      %parallel_loop3A_85 = arith.addf %parallel_loop3A_75, %parallel_loop3A_84 : vector<16xf32>
      %parallel_loop3A_86 = arith.constant 0 : i32
      %parallel_loop3A_87 = arith.addi %parallel_loop3A_62, %parallel_loop3A_86 : i32
      %parallel_loop3A_88 = arith.index_cast %parallel_loop3A_87 : i32 to index
      %parallel_loop3A_89 = tpu.vector_load %arg8[%parallel_loop3A_88] {strides = array<i32>} : memref<10000xf32, #tpu.memory_space<vmem>>, vector<16xf32>,
      tpu.vector_store %arg8[%parallel_loop3A_88], %parallel_loop3A_85 {strides = array<i32>} : memref<10000xf32, #tpu.memory_space<vmem>>, vector<16xf32>,
      %parallel_loop3A_90 = arith.addi %and3A_4, %parallel_loop3A_62 : i32
      %parallel_loop3A_91 = arith.constant 16 : i32
      %parallel_loop3A_92 = arith.addi %parallel_loop3A_90, %parallel_loop3A_91 : i32
      %parallel_loop3A_93 = arith.constant 7 : i32
      %parallel_loop3A_94 = arith.shrui %parallel_loop3A_92, %parallel_loop3A_93 : i32
      %parallel_loop3A_95 = arith.constant 127 : i32
      %parallel_loop3A_96 = arith.andi %parallel_loop3A_92, %parallel_loop3A_95 : i32
      %parallel_loop3A_97 = arith.constant 0 : i32
      %parallel_loop3A_98 = arith.index_cast %parallel_loop3A_94 : i32 to index
      %parallel_loop3A_99 = arith.index_cast %parallel_loop3A_97 : i32 to index
      %parallel_loop3A_100 = arith.index_cast %parallel_loop3A_96 : i32 to index
      %parallel_loop3A_101 = tpu.vector_load %arg6[%parallel_loop3A_98, %parallel_loop3A_99, %parallel_loop3A_100] {strides = array<i32>} : memref<48x2x128xi32, #tpu.memory_space<vmem>>, vector<16xi32>,
      %parallel_loop3A_102 = tpu.vector_load_idx %arg5[%parallel_loop3A_101] : memref<20000xf32, #tpu.memory_space<vmem>>[vector<16xi32>], vector<16xf32>,
      %parallel_loop3A_103 = arith.constant 1 : i32
      %parallel_loop3A_104 = arith.index_cast %parallel_loop3A_94 : i32 to index
      %parallel_loop3A_105 = arith.index_cast %parallel_loop3A_103 : i32 to index
      %parallel_loop3A_106 = arith.index_cast %parallel_loop3A_96 : i32 to index
      %parallel_loop3A_107 = tpu.vector_load %arg6[%parallel_loop3A_104, %parallel_loop3A_105, %parallel_loop3A_106] {strides = array<i32>} : memref<48x2x128xi32, #tpu.memory_space<vmem>>, vector<16xi32>,
      %parallel_loop3A_108 = arith.constant 10000 : i32
      %parallel_loop3A_109 = vector.broadcast %parallel_loop3A_108 : i32 to vector<16xi32>
      %parallel_loop3A_110 = arith.addi %parallel_loop3A_107, %parallel_loop3A_109 : vector<16xi32>
      %parallel_loop3A_111 = tpu.vector_load_idx %arg5[%parallel_loop3A_110] : memref<20000xf32, #tpu.memory_space<vmem>>[vector<16xi32>], vector<16xf32>,
      %parallel_loop3A_112 = arith.addf %parallel_loop3A_102, %parallel_loop3A_111 : vector<16xf32>
      %parallel_loop3A_113 = arith.constant 16 : i32
      %parallel_loop3A_114 = arith.addi %parallel_loop3A_62, %parallel_loop3A_113 : i32
      %parallel_loop3A_115 = arith.index_cast %parallel_loop3A_114 : i32 to index
      %parallel_loop3A_116 = tpu.vector_load %arg8[%parallel_loop3A_115] {strides = array<i32>} : memref<10000xf32, #tpu.memory_space<vmem>>, vector<16xf32>,
      tpu.vector_store %arg8[%parallel_loop3A_115], %parallel_loop3A_112 {strides = array<i32>} : memref<10000xf32, #tpu.memory_space<vmem>>, vector<16xf32>,
      %parallel_loop3A_117 = arith.addi %and3A_4, %parallel_loop3A_62 : i32
      %parallel_loop3A_118 = arith.constant 32 : i32
      %parallel_loop3A_119 = arith.addi %parallel_loop3A_117, %parallel_loop3A_118 : i32
      %parallel_loop3A_120 = arith.constant 7 : i32
      %parallel_loop3A_121 = arith.shrui %parallel_loop3A_119, %parallel_loop3A_120 : i32
      %parallel_loop3A_122 = arith.constant 127 : i32
      %parallel_loop3A_123 = arith.andi %parallel_loop3A_119, %parallel_loop3A_122 : i32
      %parallel_loop3A_124 = arith.constant 0 : i32
      %parallel_loop3A_125 = arith.index_cast %parallel_loop3A_121 : i32 to index
      %parallel_loop3A_126 = arith.index_cast %parallel_loop3A_124 : i32 to index
      %parallel_loop3A_127 = arith.index_cast %parallel_loop3A_123 : i32 to index
      %parallel_loop3A_128 = tpu.vector_load %arg6[%parallel_loop3A_125, %parallel_loop3A_126, %parallel_loop3A_127] {strides = array<i32>} : memref<48x2x128xi32, #tpu.memory_space<vmem>>, vector<16xi32>,
      %parallel_loop3A_129 = tpu.vector_load_idx %arg5[%parallel_loop3A_128] : memref<20000xf32, #tpu.memory_space<vmem>>[vector<16xi32>], vector<16xf32>,
      %parallel_loop3A_130 = arith.constant 1 : i32
      %parallel_loop3A_131 = arith.index_cast %parallel_loop3A_121 : i32 to index
      %parallel_loop3A_132 = arith.index_cast %parallel_loop3A_130 : i32 to index
      %parallel_loop3A_133 = arith.index_cast %parallel_loop3A_123 : i32 to index
      %parallel_loop3A_134 = tpu.vector_load %arg6[%parallel_loop3A_131, %parallel_loop3A_132, %parallel_loop3A_133] {strides = array<i32>} : memref<48x2x128xi32, #tpu.memory_space<vmem>>, vector<16xi32>,
      %parallel_loop3A_135 = arith.constant 10000 : i32
      %parallel_loop3A_136 = vector.broadcast %parallel_loop3A_135 : i32 to vector<16xi32>
      %parallel_loop3A_137 = arith.addi %parallel_loop3A_134, %parallel_loop3A_136 : vector<16xi32>
      %parallel_loop3A_138 = tpu.vector_load_idx %arg5[%parallel_loop3A_137] : memref<20000xf32, #tpu.memory_space<vmem>>[vector<16xi32>], vector<16xf32>,
      %parallel_loop3A_139 = arith.addf %parallel_loop3A_129, %parallel_loop3A_138 : vector<16xf32>
      %parallel_loop3A_140 = arith.constant 32 : i32
      %parallel_loop3A_141 = arith.addi %parallel_loop3A_62, %parallel_loop3A_140 : i32
      %parallel_loop3A_142 = arith.index_cast %parallel_loop3A_141 : i32 to index
      %parallel_loop3A_143 = tpu.vector_load %arg8[%parallel_loop3A_142] {strides = array<i32>} : memref<10000xf32, #tpu.memory_space<vmem>>, vector<16xf32>,
      tpu.vector_store %arg8[%parallel_loop3A_142], %parallel_loop3A_139 {strides = array<i32>} : memref<10000xf32, #tpu.memory_space<vmem>>, vector<16xf32>,
      %parallel_loop3A_144 = arith.addi %and3A_4, %parallel_loop3A_62 : i32
      %parallel_loop3A_145 = arith.constant 48 : i32
      %parallel_loop3A_146 = arith.addi %parallel_loop3A_144, %parallel_loop3A_145 : i32
      %parallel_loop3A_147 = arith.constant 7 : i32
      %parallel_loop3A_148 = arith.shrui %parallel_loop3A_146, %parallel_loop3A_147 : i32
      %parallel_loop3A_149 = arith.constant 127 : i32
      %parallel_loop3A_150 = arith.andi %parallel_loop3A_146, %parallel_loop3A_149 : i32
      %parallel_loop3A_151 = arith.constant 0 : i32
      %parallel_loop3A_152 = arith.index_cast %parallel_loop3A_148 : i32 to index
      %parallel_loop3A_153 = arith.index_cast %parallel_loop3A_151 : i32 to index
      %parallel_loop3A_154 = arith.index_cast %parallel_loop3A_150 : i32 to index
      %parallel_loop3A_155 = tpu.vector_load %arg6[%parallel_loop3A_152, %parallel_loop3A_153, %parallel_loop3A_154] {strides = array<i32>} : memref<48x2x128xi32, #tpu.memory_space<vmem>>, vector<16xi32>,
      %parallel_loop3A_156 = tpu.vector_load_idx %arg5[%parallel_loop3A_155] : memref<20000xf32, #tpu.memory_space<vmem>>[vector<16xi32>], vector<16xf32>,
      %parallel_loop3A_157 = arith.constant 1 : i32
      %parallel_loop3A_158 = arith.index_cast %parallel_loop3A_148 : i32 to index
      %parallel_loop3A_159 = arith.index_cast %parallel_loop3A_157 : i32 to index
      %parallel_loop3A_160 = arith.index_cast %parallel_loop3A_150 : i32 to index
      %parallel_loop3A_161 = tpu.vector_load %arg6[%parallel_loop3A_158, %parallel_loop3A_159, %parallel_loop3A_160] {strides = array<i32>} : memref<48x2x128xi32, #tpu.memory_space<vmem>>, vector<16xi32>,
      %parallel_loop3A_162 = arith.constant 10000 : i32
      %parallel_loop3A_163 = vector.broadcast %parallel_loop3A_162 : i32 to vector<16xi32>
      %parallel_loop3A_164 = arith.addi %parallel_loop3A_161, %parallel_loop3A_163 : vector<16xi32>
      %parallel_loop3A_165 = tpu.vector_load_idx %arg5[%parallel_loop3A_164] : memref<20000xf32, #tpu.memory_space<vmem>>[vector<16xi32>], vector<16xf32>,
      %parallel_loop3A_166 = arith.addf %parallel_loop3A_156, %parallel_loop3A_165 : vector<16xf32>
      %parallel_loop3A_167 = arith.constant 48 : i32
      %parallel_loop3A_168 = arith.addi %parallel_loop3A_62, %parallel_loop3A_167 : i32
      %parallel_loop3A_169 = arith.index_cast %parallel_loop3A_168 : i32 to index
      %parallel_loop3A_170 = tpu.vector_load %arg8[%parallel_loop3A_169] {strides = array<i32>} : memref<10000xf32, #tpu.memory_space<vmem>>, vector<16xf32>,
      tpu.vector_store %arg8[%parallel_loop3A_169], %parallel_loop3A_166 {strides = array<i32>} : memref<10000xf32, #tpu.memory_space<vmem>>, vector<16xf32>,
      %parallel_loop3A_171 = arith.addi %and3A_4, %parallel_loop3A_62 : i32
      %parallel_loop3A_172 = arith.constant 64 : i32
      %parallel_loop3A_173 = arith.addi %parallel_loop3A_171, %parallel_loop3A_172 : i32
      %parallel_loop3A_174 = arith.constant 7 : i32
      %parallel_loop3A_175 = arith.shrui %parallel_loop3A_173, %parallel_loop3A_174 : i32
      %parallel_loop3A_176 = arith.constant 127 : i32
      %parallel_loop3A_177 = arith.andi %parallel_loop3A_173, %parallel_loop3A_176 : i32
      %parallel_loop3A_178 = arith.constant 0 : i32
      %parallel_loop3A_179 = arith.index_cast %parallel_loop3A_175 : i32 to index
      %parallel_loop3A_180 = arith.index_cast %parallel_loop3A_178 : i32 to index
      %parallel_loop3A_181 = arith.index_cast %parallel_loop3A_177 : i32 to index
      %parallel_loop3A_182 = tpu.vector_load %arg6[%parallel_loop3A_179, %parallel_loop3A_180, %parallel_loop3A_181] {strides = array<i32>} : memref<48x2x128xi32, #tpu.memory_space<vmem>>, vector<16xi32>,
      %parallel_loop3A_183 = tpu.vector_load_idx %arg5[%parallel_loop3A_182] : memref<20000xf32, #tpu.memory_space<vmem>>[vector<16xi32>], vector<16xf32>,
      %parallel_loop3A_184 = arith.constant 1 : i32
      %parallel_loop3A_185 = arith.index_cast %parallel_loop3A_175 : i32 to index
      %parallel_loop3A_186 = arith.index_cast %parallel_loop3A_184 : i32 to index
      %parallel_loop3A_187 = arith.index_cast %parallel_loop3A_177 : i32 to index
      %parallel_loop3A_188 = tpu.vector_load %arg6[%parallel_loop3A_185, %parallel_loop3A_186, %parallel_loop3A_187] {strides = array<i32>} : memref<48x2x128xi32, #tpu.memory_space<vmem>>, vector<16xi32>,
      %parallel_loop3A_189 = arith.constant 10000 : i32
      %parallel_loop3A_190 = vector.broadcast %parallel_loop3A_189 : i32 to vector<16xi32>
      %parallel_loop3A_191 = arith.addi %parallel_loop3A_188, %parallel_loop3A_190 : vector<16xi32>
      %parallel_loop3A_192 = tpu.vector_load_idx %arg5[%parallel_loop3A_191] : memref<20000xf32, #tpu.memory_space<vmem>>[vector<16xi32>], vector<16xf32>,
      %parallel_loop3A_193 = arith.addf %parallel_loop3A_183, %parallel_loop3A_192 : vector<16xf32>
      %parallel_loop3A_194 = arith.constant 64 : i32
      %parallel_loop3A_195 = arith.addi %parallel_loop3A_62, %parallel_loop3A_194 : i32
      %parallel_loop3A_196 = arith.index_cast %parallel_loop3A_195 : i32 to index
      %parallel_loop3A_197 = tpu.vector_load %arg8[%parallel_loop3A_196] {strides = array<i32>} : memref<10000xf32, #tpu.memory_space<vmem>>, vector<16xf32>,
      tpu.vector_store %arg8[%parallel_loop3A_196], %parallel_loop3A_193 {strides = array<i32>} : memref<10000xf32, #tpu.memory_space<vmem>>, vector<16xf32>,
    } {sc.loop_unroll_factor = 2 : i64, sc.parallel_access}
    %dma_start3A_39 = arith.constant 0 : i32
    %dma_start3A_40 = tpu.memref_slice %arg8[%dma_start3A_39] : memref<10000xf32, #tpu.memory_space<vmem>> -> memref<6000xf32, #tpu.memory_space<vmem>>
    %dma_start3A_41 = tpu.memref_slice %arg4[%mul3A_2] : memref<320000xf32, #tpu.memory_space<hbm>> -> memref<6000xf32, #tpu.memory_space<hbm>>
    %dma_start3A_42 = tpu.memref_slice %arg4[%mul3A_2] : memref<320000xf32, #tpu.memory_space<hbm>> -> memref<6000xf32, #tpu.memory_space<hbm>>
    %dma_start3A_43 = arith.constant 0 : i32
    %dma_start3A_44 = tpu.memref_slice %arg8[%dma_start3A_43] : memref<10000xf32, #tpu.memory_space<vmem>> -> memref<6000xf32, #tpu.memory_space<vmem>>
    tpu.enqueue_dma source(%dma_start3A_44 : memref<6000xf32, #tpu.memory_space<vmem>>) target(%dma_start3A_42 : memref<6000xf32, #tpu.memory_space<hbm>>) target_semaphore(%arg10 : memref<!tpu.dma_semaphore, #tpu.memory_space<semaphore_mem>>)
    %dma_wait3A_45 = arith.constant 0 : i32
    %dma_wait3A_46 = arith.constant 0 : i32
    %dma_wait3A_47 = tpu.memref_slice %arg3[%add3A_18, %dma_wait3A_45, %dma_wait3A_46] : memref<2500x2x128xi32, #tpu.memory_space<hbm>> -> memref<33x2x128xi32, #tpu.memory_space<hbm>>
    %dma_wait3A_48 = arith.constant 0 : i32
    %dma_wait3A_49 = arith.constant 0 : i32
    %dma_wait3A_50 = tpu.memref_slice %arg3[%add3A_18, %dma_wait3A_48, %dma_wait3A_49] : memref<2500x2x128xi32, #tpu.memory_space<hbm>> -> memref<33x2x128xi32, #tpu.memory_space<hbm>>
    tpu.wait_dma2 semaphore(%arg9 : memref<!tpu.dma_semaphore, #tpu.memory_space<semaphore_mem>>) src(%dma_wait3A_50 : memref<33x2x128xi32, #tpu.memory_space<hbm>>) dst(%arg7 : memref<33x2x128xi32, #tpu.memory_space<vmem>>)
    %parallel_loop3A_51 = arith.constant 6000 : i32
    %parallel_loop3A_52 = arith.constant 10000 : i32
    %parallel_loop3A_53 = arith.constant 80 : i32
    scf.for %parallel_loop3A_62 = %parallel_loop3A_51 to %parallel_loop3A_52 step %parallel_loop3A_53  : i32 {
      %parallel_loop3A_63 = arith.addi %and3A_4, %parallel_loop3A_62 : i32
      %parallel_loop3A_64 = arith.constant 0 : i32
      %parallel_loop3A_65 = arith.addi %parallel_loop3A_63, %parallel_loop3A_64 : i32
      %parallel_loop3A_66 = arith.constant 7 : i32
      %parallel_loop3A_67 = arith.shrui %parallel_loop3A_65, %parallel_loop3A_66 : i32
      %parallel_loop3A_68 = arith.constant 46 : i32
      %parallel_loop3A_69 = arith.subi %parallel_loop3A_67, %parallel_loop3A_68 : i32
      %parallel_loop3A_70 = arith.constant 127 : i32
      %parallel_loop3A_71 = arith.andi %parallel_loop3A_65, %parallel_loop3A_70 : i32
      %parallel_loop3A_72 = arith.constant 0 : i32
      %parallel_loop3A_73 = arith.index_cast %parallel_loop3A_69 : i32 to index
      %parallel_loop3A_74 = arith.index_cast %parallel_loop3A_72 : i32 to index
      %parallel_loop3A_75 = arith.index_cast %parallel_loop3A_71 : i32 to index
      %parallel_loop3A_76 = tpu.vector_load %arg7[%parallel_loop3A_73, %parallel_loop3A_74, %parallel_loop3A_75] {strides = array<i32>} : memref<33x2x128xi32, #tpu.memory_space<vmem>>, vector<16xi32>,
      %parallel_loop3A_77 = tpu.vector_load_idx %arg5[%parallel_loop3A_76] : memref<20000xf32, #tpu.memory_space<vmem>>[vector<16xi32>], vector<16xf32>,
      %parallel_loop3A_78 = arith.constant 1 : i32
      %parallel_loop3A_79 = arith.index_cast %parallel_loop3A_69 : i32 to index
      %parallel_loop3A_80 = arith.index_cast %parallel_loop3A_78 : i32 to index
      %parallel_loop3A_81 = arith.index_cast %parallel_loop3A_71 : i32 to index
      %parallel_loop3A_82 = tpu.vector_load %arg7[%parallel_loop3A_79, %parallel_loop3A_80, %parallel_loop3A_81] {strides = array<i32>} : memref<33x2x128xi32, #tpu.memory_space<vmem>>, vector<16xi32>,
      %parallel_loop3A_83 = arith.constant 10000 : i32
      %parallel_loop3A_84 = vector.broadcast %parallel_loop3A_83 : i32 to vector<16xi32>
      %parallel_loop3A_85 = arith.addi %parallel_loop3A_82, %parallel_loop3A_84 : vector<16xi32>
      %parallel_loop3A_86 = tpu.vector_load_idx %arg5[%parallel_loop3A_85] : memref<20000xf32, #tpu.memory_space<vmem>>[vector<16xi32>], vector<16xf32>,
      %parallel_loop3A_87 = arith.addf %parallel_loop3A_77, %parallel_loop3A_86 : vector<16xf32>
      %parallel_loop3A_88 = arith.constant 0 : i32
      %parallel_loop3A_89 = arith.addi %parallel_loop3A_62, %parallel_loop3A_88 : i32
      %parallel_loop3A_90 = arith.index_cast %parallel_loop3A_89 : i32 to index
      %parallel_loop3A_91 = tpu.vector_load %arg8[%parallel_loop3A_90] {strides = array<i32>} : memref<10000xf32, #tpu.memory_space<vmem>>, vector<16xf32>,
      tpu.vector_store %arg8[%parallel_loop3A_90], %parallel_loop3A_87 {strides = array<i32>} : memref<10000xf32, #tpu.memory_space<vmem>>, vector<16xf32>,
      %parallel_loop3A_92 = arith.addi %and3A_4, %parallel_loop3A_62 : i32
      %parallel_loop3A_93 = arith.constant 16 : i32
      %parallel_loop3A_94 = arith.addi %parallel_loop3A_92, %parallel_loop3A_93 : i32
      %parallel_loop3A_95 = arith.constant 7 : i32
      %parallel_loop3A_96 = arith.shrui %parallel_loop3A_94, %parallel_loop3A_95 : i32
      %parallel_loop3A_97 = arith.constant 46 : i32
      %parallel_loop3A_98 = arith.subi %parallel_loop3A_96, %parallel_loop3A_97 : i32
      %parallel_loop3A_99 = arith.constant 127 : i32
      %parallel_loop3A_100 = arith.andi %parallel_loop3A_94, %parallel_loop3A_99 : i32
      %parallel_loop3A_101 = arith.constant 0 : i32
      %parallel_loop3A_102 = arith.index_cast %parallel_loop3A_98 : i32 to index
      %parallel_loop3A_103 = arith.index_cast %parallel_loop3A_101 : i32 to index
      %parallel_loop3A_104 = arith.index_cast %parallel_loop3A_100 : i32 to index
      %parallel_loop3A_105 = tpu.vector_load %arg7[%parallel_loop3A_102, %parallel_loop3A_103, %parallel_loop3A_104] {strides = array<i32>} : memref<33x2x128xi32, #tpu.memory_space<vmem>>, vector<16xi32>,
      %parallel_loop3A_106 = tpu.vector_load_idx %arg5[%parallel_loop3A_105] : memref<20000xf32, #tpu.memory_space<vmem>>[vector<16xi32>], vector<16xf32>,
      %parallel_loop3A_107 = arith.constant 1 : i32
      %parallel_loop3A_108 = arith.index_cast %parallel_loop3A_98 : i32 to index
      %parallel_loop3A_109 = arith.index_cast %parallel_loop3A_107 : i32 to index
      %parallel_loop3A_110 = arith.index_cast %parallel_loop3A_100 : i32 to index
      %parallel_loop3A_111 = tpu.vector_load %arg7[%parallel_loop3A_108, %parallel_loop3A_109, %parallel_loop3A_110] {strides = array<i32>} : memref<33x2x128xi32, #tpu.memory_space<vmem>>, vector<16xi32>,
      %parallel_loop3A_112 = arith.constant 10000 : i32
      %parallel_loop3A_113 = vector.broadcast %parallel_loop3A_112 : i32 to vector<16xi32>
      %parallel_loop3A_114 = arith.addi %parallel_loop3A_111, %parallel_loop3A_113 : vector<16xi32>
      %parallel_loop3A_115 = tpu.vector_load_idx %arg5[%parallel_loop3A_114] : memref<20000xf32, #tpu.memory_space<vmem>>[vector<16xi32>], vector<16xf32>,
      %parallel_loop3A_116 = arith.addf %parallel_loop3A_106, %parallel_loop3A_115 : vector<16xf32>
      %parallel_loop3A_117 = arith.constant 16 : i32
      %parallel_loop3A_118 = arith.addi %parallel_loop3A_62, %parallel_loop3A_117 : i32
      %parallel_loop3A_119 = arith.index_cast %parallel_loop3A_118 : i32 to index
      %parallel_loop3A_120 = tpu.vector_load %arg8[%parallel_loop3A_119] {strides = array<i32>} : memref<10000xf32, #tpu.memory_space<vmem>>, vector<16xf32>,
      tpu.vector_store %arg8[%parallel_loop3A_119], %parallel_loop3A_116 {strides = array<i32>} : memref<10000xf32, #tpu.memory_space<vmem>>, vector<16xf32>,
      %parallel_loop3A_121 = arith.addi %and3A_4, %parallel_loop3A_62 : i32
      %parallel_loop3A_122 = arith.constant 32 : i32
      %parallel_loop3A_123 = arith.addi %parallel_loop3A_121, %parallel_loop3A_122 : i32
      %parallel_loop3A_124 = arith.constant 7 : i32
      %parallel_loop3A_125 = arith.shrui %parallel_loop3A_123, %parallel_loop3A_124 : i32
      %parallel_loop3A_126 = arith.constant 46 : i32
      %parallel_loop3A_127 = arith.subi %parallel_loop3A_125, %parallel_loop3A_126 : i32
      %parallel_loop3A_128 = arith.constant 127 : i32
      %parallel_loop3A_129 = arith.andi %parallel_loop3A_123, %parallel_loop3A_128 : i32
      %parallel_loop3A_130 = arith.constant 0 : i32
      %parallel_loop3A_131 = arith.index_cast %parallel_loop3A_127 : i32 to index
      %parallel_loop3A_132 = arith.index_cast %parallel_loop3A_130 : i32 to index
      %parallel_loop3A_133 = arith.index_cast %parallel_loop3A_129 : i32 to index
      %parallel_loop3A_134 = tpu.vector_load %arg7[%parallel_loop3A_131, %parallel_loop3A_132, %parallel_loop3A_133] {strides = array<i32>} : memref<33x2x128xi32, #tpu.memory_space<vmem>>, vector<16xi32>,
      %parallel_loop3A_135 = tpu.vector_load_idx %arg5[%parallel_loop3A_134] : memref<20000xf32, #tpu.memory_space<vmem>>[vector<16xi32>], vector<16xf32>,
      %parallel_loop3A_136 = arith.constant 1 : i32
      %parallel_loop3A_137 = arith.index_cast %parallel_loop3A_127 : i32 to index
      %parallel_loop3A_138 = arith.index_cast %parallel_loop3A_136 : i32 to index
      %parallel_loop3A_139 = arith.index_cast %parallel_loop3A_129 : i32 to index
      %parallel_loop3A_140 = tpu.vector_load %arg7[%parallel_loop3A_137, %parallel_loop3A_138, %parallel_loop3A_139] {strides = array<i32>} : memref<33x2x128xi32, #tpu.memory_space<vmem>>, vector<16xi32>,
      %parallel_loop3A_141 = arith.constant 10000 : i32
      %parallel_loop3A_142 = vector.broadcast %parallel_loop3A_141 : i32 to vector<16xi32>
      %parallel_loop3A_143 = arith.addi %parallel_loop3A_140, %parallel_loop3A_142 : vector<16xi32>
      %parallel_loop3A_144 = tpu.vector_load_idx %arg5[%parallel_loop3A_143] : memref<20000xf32, #tpu.memory_space<vmem>>[vector<16xi32>], vector<16xf32>,
      %parallel_loop3A_145 = arith.addf %parallel_loop3A_135, %parallel_loop3A_144 : vector<16xf32>
      %parallel_loop3A_146 = arith.constant 32 : i32
      %parallel_loop3A_147 = arith.addi %parallel_loop3A_62, %parallel_loop3A_146 : i32
      %parallel_loop3A_148 = arith.index_cast %parallel_loop3A_147 : i32 to index
      %parallel_loop3A_149 = tpu.vector_load %arg8[%parallel_loop3A_148] {strides = array<i32>} : memref<10000xf32, #tpu.memory_space<vmem>>, vector<16xf32>,
      tpu.vector_store %arg8[%parallel_loop3A_148], %parallel_loop3A_145 {strides = array<i32>} : memref<10000xf32, #tpu.memory_space<vmem>>, vector<16xf32>,
      %parallel_loop3A_150 = arith.addi %and3A_4, %parallel_loop3A_62 : i32
      %parallel_loop3A_151 = arith.constant 48 : i32
      %parallel_loop3A_152 = arith.addi %parallel_loop3A_150, %parallel_loop3A_151 : i32
      %parallel_loop3A_153 = arith.constant 7 : i32
      %parallel_loop3A_154 = arith.shrui %parallel_loop3A_152, %parallel_loop3A_153 : i32
      %parallel_loop3A_155 = arith.constant 46 : i32
      %parallel_loop3A_156 = arith.subi %parallel_loop3A_154, %parallel_loop3A_155 : i32
      %parallel_loop3A_157 = arith.constant 127 : i32
      %parallel_loop3A_158 = arith.andi %parallel_loop3A_152, %parallel_loop3A_157 : i32
      %parallel_loop3A_159 = arith.constant 0 : i32
      %parallel_loop3A_160 = arith.index_cast %parallel_loop3A_156 : i32 to index
      %parallel_loop3A_161 = arith.index_cast %parallel_loop3A_159 : i32 to index
      %parallel_loop3A_162 = arith.index_cast %parallel_loop3A_158 : i32 to index
      %parallel_loop3A_163 = tpu.vector_load %arg7[%parallel_loop3A_160, %parallel_loop3A_161, %parallel_loop3A_162] {strides = array<i32>} : memref<33x2x128xi32, #tpu.memory_space<vmem>>, vector<16xi32>,
      %parallel_loop3A_164 = tpu.vector_load_idx %arg5[%parallel_loop3A_163] : memref<20000xf32, #tpu.memory_space<vmem>>[vector<16xi32>], vector<16xf32>,
      %parallel_loop3A_165 = arith.constant 1 : i32
      %parallel_loop3A_166 = arith.index_cast %parallel_loop3A_156 : i32 to index
      %parallel_loop3A_167 = arith.index_cast %parallel_loop3A_165 : i32 to index
      %parallel_loop3A_168 = arith.index_cast %parallel_loop3A_158 : i32 to index
      %parallel_loop3A_169 = tpu.vector_load %arg7[%parallel_loop3A_166, %parallel_loop3A_167, %parallel_loop3A_168] {strides = array<i32>} : memref<33x2x128xi32, #tpu.memory_space<vmem>>, vector<16xi32>,
      %parallel_loop3A_170 = arith.constant 10000 : i32
      %parallel_loop3A_171 = vector.broadcast %parallel_loop3A_170 : i32 to vector<16xi32>
      %parallel_loop3A_172 = arith.addi %parallel_loop3A_169, %parallel_loop3A_171 : vector<16xi32>
      %parallel_loop3A_173 = tpu.vector_load_idx %arg5[%parallel_loop3A_172] : memref<20000xf32, #tpu.memory_space<vmem>>[vector<16xi32>], vector<16xf32>,
      %parallel_loop3A_174 = arith.addf %parallel_loop3A_164, %parallel_loop3A_173 : vector<16xf32>
      %parallel_loop3A_175 = arith.constant 48 : i32
      %parallel_loop3A_176 = arith.addi %parallel_loop3A_62, %parallel_loop3A_175 : i32
      %parallel_loop3A_177 = arith.index_cast %parallel_loop3A_176 : i32 to index
      %parallel_loop3A_178 = tpu.vector_load %arg8[%parallel_loop3A_177] {strides = array<i32>} : memref<10000xf32, #tpu.memory_space<vmem>>, vector<16xf32>,
      tpu.vector_store %arg8[%parallel_loop3A_177], %parallel_loop3A_174 {strides = array<i32>} : memref<10000xf32, #tpu.memory_space<vmem>>, vector<16xf32>,
      %parallel_loop3A_179 = arith.addi %and3A_4, %parallel_loop3A_62 : i32
      %parallel_loop3A_180 = arith.constant 64 : i32
      %parallel_loop3A_181 = arith.addi %parallel_loop3A_179, %parallel_loop3A_180 : i32
      %parallel_loop3A_182 = arith.constant 7 : i32
      %parallel_loop3A_183 = arith.shrui %parallel_loop3A_181, %parallel_loop3A_182 : i32
      %parallel_loop3A_184 = arith.constant 46 : i32
      %parallel_loop3A_185 = arith.subi %parallel_loop3A_183, %parallel_loop3A_184 : i32
      %parallel_loop3A_186 = arith.constant 127 : i32
      %parallel_loop3A_187 = arith.andi %parallel_loop3A_181, %parallel_loop3A_186 : i32
      %parallel_loop3A_188 = arith.constant 0 : i32
      %parallel_loop3A_189 = arith.index_cast %parallel_loop3A_185 : i32 to index
      %parallel_loop3A_190 = arith.index_cast %parallel_loop3A_188 : i32 to index
      %parallel_loop3A_191 = arith.index_cast %parallel_loop3A_187 : i32 to index
      %parallel_loop3A_192 = tpu.vector_load %arg7[%parallel_loop3A_189, %parallel_loop3A_190, %parallel_loop3A_191] {strides = array<i32>} : memref<33x2x128xi32, #tpu.memory_space<vmem>>, vector<16xi32>,
      %parallel_loop3A_193 = tpu.vector_load_idx %arg5[%parallel_loop3A_192] : memref<20000xf32, #tpu.memory_space<vmem>>[vector<16xi32>], vector<16xf32>,
      %parallel_loop3A_194 = arith.constant 1 : i32
      %parallel_loop3A_195 = arith.index_cast %parallel_loop3A_185 : i32 to index
      %parallel_loop3A_196 = arith.index_cast %parallel_loop3A_194 : i32 to index
      %parallel_loop3A_197 = arith.index_cast %parallel_loop3A_187 : i32 to index
      %parallel_loop3A_198 = tpu.vector_load %arg7[%parallel_loop3A_195, %parallel_loop3A_196, %parallel_loop3A_197] {strides = array<i32>} : memref<33x2x128xi32, #tpu.memory_space<vmem>>, vector<16xi32>,
      %parallel_loop3A_199 = arith.constant 10000 : i32
      %parallel_loop3A_200 = vector.broadcast %parallel_loop3A_199 : i32 to vector<16xi32>
      %parallel_loop3A_201 = arith.addi %parallel_loop3A_198, %parallel_loop3A_200 : vector<16xi32>
      %parallel_loop3A_202 = tpu.vector_load_idx %arg5[%parallel_loop3A_201] : memref<20000xf32, #tpu.memory_space<vmem>>[vector<16xi32>], vector<16xf32>,
      %parallel_loop3A_203 = arith.addf %parallel_loop3A_193, %parallel_loop3A_202 : vector<16xf32>
      %parallel_loop3A_204 = arith.constant 64 : i32
      %parallel_loop3A_205 = arith.addi %parallel_loop3A_62, %parallel_loop3A_204 : i32
      %parallel_loop3A_206 = arith.index_cast %parallel_loop3A_205 : i32 to index
      %parallel_loop3A_207 = tpu.vector_load %arg8[%parallel_loop3A_206] {strides = array<i32>} : memref<10000xf32, #tpu.memory_space<vmem>>, vector<16xf32>,
      tpu.vector_store %arg8[%parallel_loop3A_206], %parallel_loop3A_203 {strides = array<i32>} : memref<10000xf32, #tpu.memory_space<vmem>>, vector<16xf32>,
    } {sc.loop_unroll_factor = 2 : i64, sc.parallel_access}
    %add3A_54 = arith.constant 6000 : i32
    %add3A_55 = arith.addi %mul3A_2, %add3A_54 : i32
    "tpu.region"() ({
      %run_scoped3A = tpu.sem_alloc : memref<!tpu.dma_semaphore, #tpu.memory_space<semaphore_mem>>
      %dma_start3A_62 = arith.constant 6000 : i32
      %dma_start3A_63 = tpu.memref_slice %arg8[%dma_start3A_62] : memref<10000xf32, #tpu.memory_space<vmem>> -> memref<4000xf32, #tpu.memory_space<vmem>>
      %dma_start3A_64 = tpu.memref_slice %arg4[%add3A_55] : memref<320000xf32, #tpu.memory_space<hbm>> -> memref<4000xf32, #tpu.memory_space<hbm>>
      %dma_start3A_65 = tpu.memref_slice %arg4[%add3A_55] : memref<320000xf32, #tpu.memory_space<hbm>> -> memref<4000xf32, #tpu.memory_space<hbm>>
      %dma_start3A_66 = arith.constant 6000 : i32
      %dma_start3A_67 = tpu.memref_slice %arg8[%dma_start3A_66] : memref<10000xf32, #tpu.memory_space<vmem>> -> memref<4000xf32, #tpu.memory_space<vmem>>
      tpu.enqueue_dma source(%dma_start3A_67 : memref<4000xf32, #tpu.memory_space<vmem>>) target(%dma_start3A_65 : memref<4000xf32, #tpu.memory_space<hbm>>) target_semaphore(%run_scoped3A : memref<!tpu.dma_semaphore, #tpu.memory_space<semaphore_mem>>)
      %dma_wait3A_68 = arith.constant 6000 : i32
      %dma_wait3A_69 = tpu.memref_slice %arg8[%dma_wait3A_68] : memref<10000xf32, #tpu.memory_space<vmem>> -> memref<4000xf32, #tpu.memory_space<vmem>>
      %dma_wait3A_70 = tpu.memref_slice %arg4[%add3A_55] : memref<320000xf32, #tpu.memory_space<hbm>> -> memref<4000xf32, #tpu.memory_space<hbm>>
      %dma_wait3A_71 = tpu.memref_slice %arg4[%add3A_55] : memref<320000xf32, #tpu.memory_space<hbm>> -> memref<4000xf32, #tpu.memory_space<hbm>>
      %dma_wait3A_72 = arith.constant 6000 : i32
      %dma_wait3A_73 = tpu.memref_slice %arg8[%dma_wait3A_72] : memref<10000xf32, #tpu.memory_space<vmem>> -> memref<4000xf32, #tpu.memory_space<vmem>>
      tpu.wait_dma2 semaphore(%run_scoped3A : memref<!tpu.dma_semaphore, #tpu.memory_space<semaphore_mem>>) src(%dma_wait3A_73 : memref<4000xf32, #tpu.memory_space<vmem>>) dst(%dma_wait3A_71 : memref<4000xf32, #tpu.memory_space<hbm>>)
      tpu.yield
    }) : () -> ()
    %dma_wait3A_56 = arith.constant 0 : i32
    %dma_wait3A_57 = tpu.memref_slice %arg8[%dma_wait3A_56] : memref<10000xf32, #tpu.memory_space<vmem>> -> memref<6000xf32, #tpu.memory_space<vmem>>
    %dma_wait3A_58 = tpu.memref_slice %arg4[%mul3A_2] : memref<320000xf32, #tpu.memory_space<hbm>> -> memref<6000xf32, #tpu.memory_space<hbm>>
    %dma_wait3A_59 = tpu.memref_slice %arg4[%mul3A_2] : memref<320000xf32, #tpu.memory_space<hbm>> -> memref<6000xf32, #tpu.memory_space<hbm>>
    %dma_wait3A_60 = arith.constant 0 : i32
    %dma_wait3A_61 = tpu.memref_slice %arg8[%dma_wait3A_60] : memref<10000xf32, #tpu.memory_space<vmem>> -> memref<6000xf32, #tpu.memory_space<vmem>>
    tpu.wait_dma2 semaphore(%arg10 : memref<!tpu.dma_semaphore, #tpu.memory_space<semaphore_mem>>) src(%dma_wait3A_61 : memref<6000xf32, #tpu.memory_space<vmem>>) dst(%dma_wait3A_59 : memref<6000xf32, #tpu.memory_space<hbm>>)
    return
  }
}

module attributes {stable_mosaic.version = 14 : i64} {
  func.func @_proj_body(%arg0: memref<10000x128xf32, #tpu.memory_space<vmem>>, %arg1: memref<10000x128xf32, #tpu.memory_space<vmem>>, %arg2: memref<1x256xf32, #tpu.memory_space<vmem>>, %arg3: memref<1x1xf32, #tpu.memory_space<smem>>, %arg4: memref<1x20000xf32, #tpu.memory_space<vmem>>) attributes {dimension_semantics = [], scalar_prefetch = 0 : i64, scratch_operands = 0 : i64, tpu.core_type = #tpu.core_type<tc>} {
    %get3A = arith.constant 0 : index
    %get3A_0 = arith.constant 0 : index
    %get3A_1 = vector.load %arg2[%get3A, %get3A_0] : memref<1x256xf32, #tpu.memory_space<vmem>>, vector<1x128xf32>
    %get3A_2 = arith.constant 0 : index
    %get3A_3 = arith.constant 128 : index
    %get3A_4 = vector.load %arg2[%get3A_2, %get3A_3] : memref<1x256xf32, #tpu.memory_space<vmem>>, vector<1x128xf32>
    %get3A_5 = arith.constant 0 : index
    %get3A_6 = arith.constant 0 : index
    %get3A_7 = vector.load %arg0[%get3A_5, %get3A_6] : memref<10000x128xf32, #tpu.memory_space<vmem>>, vector<10000x128xf32>
    %dot_general3A = arith.constant dense<0.000000e+00> : vector<1x10000xf32>
    %dot_general3A_8 = tpu.matmul %get3A_1, %get3A_7, %dot_general3A {dimension_numbers = #tpu.dot_dimension_numbers<[1], [1], [0], [0], [0, 0, 1, 0], [], []>, transpose_lhs_hint = false} : vector<1x128xf32>, vector<10000x128xf32>, vector<1x10000xf32> -> vector<1x10000xf32>
    %get3A_9 = arith.constant 0 : index
    %get3A_10 = arith.constant 0 : index
    %get3A_11 = memref.load %arg3[%get3A_9, %get3A_10] : memref<1x1xf32, #tpu.memory_space<smem>>
    %add3A = vector.broadcast %get3A_11 : f32 to vector<1x10000xf32>
    %add3A_12 = arith.addf %dot_general3A_8, %add3A : vector<1x10000xf32>
    %swap3A = arith.constant 0 : index
    %swap3A_13 = arith.constant 0 : index
    %swap3A_14 = vector.load %arg4[%swap3A, %swap3A_13] : memref<1x20000xf32, #tpu.memory_space<vmem>>, vector<1x10000xf32>
    tpu.vector_store %arg4[%swap3A, %swap3A_13], %add3A_12 {strides = array<i32>} : memref<1x20000xf32, #tpu.memory_space<vmem>>, vector<1x10000xf32>,
    %get3A_15 = arith.constant 0 : index
    %get3A_16 = arith.constant 0 : index
    %get3A_17 = vector.load %arg1[%get3A_15, %get3A_16] : memref<10000x128xf32, #tpu.memory_space<vmem>>, vector<10000x128xf32>
    %dot_general3A_18 = arith.constant dense<0.000000e+00> : vector<1x10000xf32>
    %dot_general3A_19 = tpu.matmul %get3A_4, %get3A_17, %dot_general3A_18 {dimension_numbers = #tpu.dot_dimension_numbers<[1], [1], [0], [0], [0, 0, 1, 0], [], []>, transpose_lhs_hint = false} : vector<1x128xf32>, vector<10000x128xf32>, vector<1x10000xf32> -> vector<1x10000xf32>
    %swap3A_20 = arith.constant 0 : index
    %swap3A_21 = arith.constant 10000 : index
    %swap3A_22 = vector.load %arg4[%swap3A_20, %swap3A_21] : memref<1x20000xf32, #tpu.memory_space<vmem>>, vector<1x10000xf32>
    tpu.vector_store %arg4[%swap3A_20, %swap3A_21], %dot_general3A_19 {strides = array<i32>} : memref<1x20000xf32, #tpu.memory_space<vmem>>, vector<1x10000xf32>,
    return
  }
}

</mosaic_0001>

<sc_bundles>
// kernel: kernel.4.cloned.1.call-start
scs
__scs_entry_jumppad:
0x0: {  	(pc) =	sbr.rel $0x88, $3  }
0x1: {  	(tag) =	ssettag $0x0;
	lr =	simm.s32 $0x1  }
0x2: {  	[smem:$0x3F9C] =	sst lr;
	_ =	strace $0xD0000000  }
0x3: {  	_ = 	snop  }
0x4: {  	_ = 	snop  }
0x5: {  	_ = 	snop  }
0x6: {  	_ = 	snop  }
0x7: {  	_ = 	snop  }
__scs_overlays_trampoline_lowered:
0x8: {  	[smem:$0x3FAB] =	sst s0  }
0x9: {  	[smem:$0x3FAC] =	sst s1  }
0xa: {  	[smem:$0x3FAD] =	sst s2  }
0xb: {  	[smem:$0x3FAE] =	sst s3  }
0xc: {  	[smem:$0x3FAF] =	sst s4  }
0xd: {  	[smem:$0x3FB0] =	sst s5  }
0xe: {  	[smem:$0x3FB1] =	sst s6  }
0xf: {  	[smem:$0x3FB2] =	sst s7  }
0x10: {  	[smem:$0x3FB3] =	sst s8  }
0x11: {  	[smem:$0x3FB4] =	sst s9;
	s0 =	simm.s32 @!p0 $0x0  }
0x12: {  	s1 =	sld [smem:$0x3F9A];
	s0 =	simm.s32 @p0 $0x1  }
0x13: {  	[smem:$0x3FB5] =	sst s0;
	s0 =	simm.s32 @!p1 $0x0  }
0x14: {  	s2 =	sld [smem:$0x3F99];
	s0 =	simm.s32 @p1 $0x1  }
0x15: {  	[smem:$0x3FB6] =	sst s0;
	s0 =	simm.s32 @!p2 $0x0  }
0x16: {  	s3 =	sld [smem:$0x3FDB];
	s0 =	simm.s32 @p2 $0x1  }
0x17: {  	s4 =	simm.s32 $0x1BF5;
	[smem:$0x3FB8] =	sst s0  }
0x18: {  	s0 =	sld [smem:$0x3F9B];
	_ =	swait.ge [sflag:s4], $0x0  }
0x19: {  	s7 =	sld [smem:$0x3F9C]  }
0x1a: {  	s8 =	sadd.s32 $0xFFFFE003, lr  }
0x1b: {  	s9 =	sadd.s32 $0xFFFFFEF7, lr;
	s5 =	simm.s32 $0xFFFFFFFF;
	p2 =	slt.u32 s8, $0xFFFFF086  }
0x1c: {  	p1 =	slt.u32 s9, $0xF7A;
	s5 =	simm.s32 @!p2 $0x0  }
0x1d: {  	s5 =	simm.s32 @p1 $0x1;
	p0 =	seq.s32 s7, s2  }
0x1e: {  	s7 =	smul.u32 @!p0 $0xF7A, s2;
	p2 =	seq.s32 @!p0 s5, $0x0  }
0x1f: {  	s9 =	smul.u32 $0xF7A, s1;
	s8 =	simm.s32 @!p0 $0x1BF5;
	p2 =	por !p2, p0  }
0x20: {  	[sflag:s8] =	ssyncset.s32 @!p0 $0xFFFFF086;
	s6 =	sadd.s32 @!p0 s3, s7;
	s7 =	simm.s32 @!p0 $0x108  }
0x21: {  	s3 =	sadd.s32 s3, s9;
	s6 =	sadd.s32 @!p0 $0x88, s6;
	s7 =	simm.s32 @p2 $0x1082  }
0x22: {  	[simem:s7], [sflag:s8] =	dma.local @!p0 [hbm:s6], $0xF7A  }
0x23: {  	s9 =	sor.u32 $0xD0000000, s2;
	s6 =	simm.s32 $0x108;
	_ =	swait.ge @!p0 [sflag:s8], $0x0  }
0x24: {  	s3 =	sadd.s32 $0x88, s3;
	s6 =	simm.s32 @!p1 $0x1082;
	[sflag:s4] =	ssyncset.s32 $0xFFFFF086  }
0x25: {  	[simem:s6], [sflag:s4] =	dma.local [hbm:s3], $0xF7A  }
0x26: {  	[smem:$0x3F9C] =	sst s1;
	(tag) =	ssettag s2;
	_ =	strace s9  }
0x27: {  	s1 =	sld [smem:$0x3FAC]  }
0x28: {  	s2 =	sld [smem:$0x3FAD]  }
0x29: {  	s4 =	sld [smem:$0x3FAF]  }
0x2a: {  	p0 =	seq.s32 s5, $0x0;
	s5 =	sld [smem:$0x3FB0]  }
0x2b: {  	s6 =	sld [smem:$0x3FB1]  }
0x2c: {  	s7 =	sld [smem:$0x3FB2]  }
0x2d: {  	s3 =	simm.s32 $0x108;
	s8 =	sld [smem:$0x3FB3]  }
0x2e: {  	s3 =	simm.s32 @!p0 $0x1082;
	s9 =	sld [smem:$0x3FB4]  }
0x2f: {  	lr =	sadd.s32 s0, s3;
	s0 =	sld [smem:$0x3FAB]  }
0x30: {  	s3 =	sld [smem:$0x3FAE]  }
0x31: {  	[smem:$0x3FB7] =	sst s10  }
0x32: {  	s10 =	sld [smem:$0x3FB5];
	_ =	sdelay $0x3  }
0x33: {  	p0 =	seq.s32 s10, $0x1;
	s10 =	sld [smem:$0x3FB7];
	_ =	sdelay $0x3  }
0x34: {  	[smem:$0x3FB7] =	sst s10  }
0x35: {  	s10 =	sld [smem:$0x3FB6];
	_ =	sdelay $0x3  }
0x36: {  	p1 =	seq.s32 s10, $0x1;
	s10 =	sld [smem:$0x3FB7];
	_ =	sdelay $0x3  }
0x37: {  	[smem:$0x3FB7] =	sst s10  }
0x38: {  	s10 =	sld [smem:$0x3FB8]  }
0x39: {  	_ = 	snop;
	(pc) =	sbr.ind lr, $3  }
0x3a: {  	_ = 	snop  }
0x3b: {  	_ = 	snop  }
0x3c: {  	p2 =	seq.s32 s10, $0x1;
	s10 =	sld [smem:$0x3FB7]  }
0x3d: {  	_ =	shalt  }
0x3e: {  	_ =	shalt  }
0x3f: {  	_ =	shalt  }
0x40: {  	_ =	shalt  }
0x41: {  	_ =	shalt  }
0x42: {  	_ =	shalt  }
0x43: {  	_ =	shalt  }
0x44: {  	_ =	shalt  }
0x45: {  	_ =	shalt  }
0x46: {  	_ =	shalt  }
0x47: {  	_ =	shalt  }
0x48: {  	_ =	shalt  }
0x49: {  	_ =	shalt  }
0x4a: {  	_ =	shalt  }
0x4b: {  	_ =	shalt  }
0x4c: {  	_ =	shalt  }
0x4d: {  	_ =	shalt  }
0x4e: {  	_ =	shalt  }
0x4f: {  	_ =	shalt  }
0x50: {  	_ =	shalt  }
0x51: {  	_ =	shalt  }
0x52: {  	_ =	shalt  }
0x53: {  	_ =	shalt  }
0x54: {  	_ =	shalt  }
0x55: {  	_ =	shalt  }
0x56: {  	_ =	shalt  }
0x57: {  	_ =	shalt  }
0x58: {  	_ =	shalt  }
0x59: {  	_ =	shalt  }
0x5a: {  	_ =	shalt  }
0x5b: {  	_ =	shalt  }
0x5c: {  	_ =	shalt  }
0x5d: {  	_ =	shalt  }
0x5e: {  	_ =	shalt  }
0x5f: {  	_ =	shalt  }
0x60: {  	_ =	shalt  }
0x61: {  	_ =	shalt  }
0x62: {  	_ =	shalt  }
0x63: {  	_ =	shalt  }
0x64: {  	_ =	shalt  }
0x65: {  	_ =	shalt  }
0x66: {  	_ =	shalt  }
0x67: {  	_ =	shalt  }
0x68: {  	_ =	shalt  }
0x69: {  	_ =	shalt  }
0x6a: {  	_ =	shalt  }
0x6b: {  	_ =	shalt  }
0x6c: {  	_ =	shalt  }
0x6d: {  	_ =	shalt  }
0x6e: {  	_ =	shalt  }
0x6f: {  	_ =	shalt  }
0x70: {  	_ =	shalt  }
0x71: {  	_ =	shalt  }
0x72: {  	_ =	shalt  }
0x73: {  	_ =	shalt  }
0x74: {  	_ =	shalt  }
0x75: {  	_ =	shalt  }
0x76: {  	_ =	shalt  }
0x77: {  	_ =	shalt  }
0x78: {  	_ =	shalt  }
0x79: {  	_ =	shalt  }
0x7a: {  	_ =	shalt  }
0x7b: {  	_ =	shalt  }
0x7c: {  	_ =	shalt  }
0x7d: {  	_ =	shalt  }
0x7e: {  	_ =	shalt  }
0x7f: {  	_ =	shalt  }
0x80: {  	_ =	shalt  }
0x81: {  	_ =	shalt  }
0x82: {  	_ =	shalt  }
0x83: {  	_ =	shalt  }
0x84: {  	_ =	shalt  }
0x85: {  	_ =	shalt  }
0x86: {  	_ =	shalt  }
0x87: {  	_ =	shalt  }
.Lfunc_end0:
.L_simem_size_0:
called_computation_lowered:
.L_overlay_start_0:
0x88: {  	s2 =	sld [smem:$0x3FD9]  }
0x89: {  	s3 =	sld [smem:$0x3FFE];
	_ =	sdelay $0x1  }
0x8a: {  	s1 =	srdreg.scid  }
0x8b: {  	s0 =	sand.u32 $0x1, s1  }
0x8c: {  	s17 =	sshll.u32 s0, $0xA;
	s2 =	sadd.s32 s3, s2  }
0x8d: {  	s2 =	sadd.s32 s2, s17  }
0x8e: {  	[smem:$0x3FC3] =	sst s2  }
0x8f: {  	_ = 	snop  }
0x90: {  	s2 =	sld [smem:$0x3FC7]  }
0x91: {  	s18 =	sld [smem:$0x3FD0];
	(tm) =	ssettm $0x1  }
0x92: {  	s4 =	sld [smem:$0x3FFB];
	_ =	sdelay $0x3  }
0x93: {  	_ =	strace s4  }
0x94: {  	s4 =	sld [smem:$0x3FFC];
	_ =	sdelay $0x3  }
0x95: {  	_ =	strace s4  }
0x96: {  	s4 =	sld [smem:$0x3FFD];
	_ =	sdelay $0x3  }
0x97: {  	_ =	strace s4  }
0x98: {  	_ =	strace $0x8FFFFFFF  }
0x99: {  	s19 =	sld [smem:$0x3FDB];
	_ =	sdelay $0x1  }
0x9a: {  	s5 =	simm.s32 $_scs_section_size  }
0x9b: {  	s6 =	simm.s32 $_size__tile_overlayer_lowered;
	s7 =	simm.s32 $_tile_overlayer_lowered  }
0x9c: {  	s22 =	simm.s32 $0x1BFF;
	s21 =	sshll.u32 s7, $0x1;
	s4 =	sadd.s32 s5, s19  }
0x9d: {  	s8 =	simm.s32 $0x0;
	s20 =	sshll.u32 s6, $0x1;
	s6 =	sadd.s32 s21, s4  }
0x9e: {  	[timem:s8], [sflag:s22] =	dma.local [hbm:s6], s20  }
0x9f: {  	_ =	swait.ge [sflag:s22], s20  }
0xa0: {  	s5 =	ssub.s32 $0x0, s20;
	[sflag:s22] =	ssyncset.done $0x0  }
0xa1: {  	[sflag:s22] =	ssyncadd.s32 s5;
	_ =	sdelay $0x1  }
0xa2: {  	s23 =	simm.s32 $0x1B8B  }
0xa3: {  	_ =	swait.ge [sflag:s23], $0x1  }
0xa4: {  	[sflag:s23] =	ssyncset.done $0x0  }
0xa5: {  	s25 =	simm.s32 $0x1B8E;
	s24 =	sld [smem:$0x3FFE];
	[sflag:s23] =	ssyncadd.s32 $0xFFFFFFFF  }
0xa6: {  	s26 =	simm.s32 $execute0_lowered;
	[smem:$0x3FD2] =	sst s25  }
0xa7: {  	s6 =	sshll.u32 s26, $0x1;
	_ =	strace $0x80000046;
	[dreg:$0x1] =	wrdreg $0xFFFFFFFF  }
0xa8: {  	s28 =	simm.s32 $_size_execute0_lowered;
	s4 =	sadd.s32 s4, s6;
	[dreg:$0x0] =	wrdreg $0x0  }
0xa9: {  	s6 =	sshll.u32 s28, $0x1;
	[dreg:$0x2] =	wrdreg s4  }
0xaa: {  	[dreg:$0x3] =	wrdreg s6  }
0xab: {  	[dreg:$0x4] =	wrdreg $0xC0  }
0xac: {  	_ =	task [dreg:s8], $0x5FFFF  }
0xad: {  	[dreg:$0x1] =	wrdreg $0xFFFFFFFF  }
0xae: {  	[dreg:$0x0] =	wrdreg $0x60  }
0xaf: {  	[dreg:$0x2] =	wrdreg s24  }
0xb0: {  	[dreg:$0x3] =	wrdreg s2  }
0xb1: {  	[dreg:$0x4] =	wrdreg s18  }
0xb2: {  	[dreg:$0x5] =	wrdreg $0x9  }
0xb3: {  	_ =	task.clear_ibuf [dreg:s8], $0x6FFFF;
	_ =	strace $0x90000046  }
0xb4: {  	s29 =	simm.s32 $0x9;
	_ =	strace $0x80000048  }
0xb5: {  	_ =	swait.ge [sflag:s29], $0x1  }
0xb6: {  	[sflag:s29] =	ssyncadd.s32 $0xFFFFFFFF  }
0xb7: {  	_ =	strace $0x90000048  }
0xb8: {  	_ =	sfence  }
0xb9: {  	s30 =	sld [smem:$0x0];
	_ =	sdelay $0x2  }
0xba: {  	s31 =	sshll.u32 s1, $0xD;
	s1 =	sshrl.u32 s1, $0x2  }
0xbb: {  	s3 =	sand.u32 $0x4000, s31;
	s1 =	sadd.s32 s1, s30  }
0xbc: {  	s0 =	sor.u32 s3, s0;
	s1 =	sshll.u32 s1, $0x11  }
0xbd: {  	s0 =	sor.u32 s1, s0  }
0xbe: {  	s0 =	sadd.s32 $0x8F2B, s0  }
0xbf: {  	[sflag:s0] =	ssyncadd.remote.s32 $0x1  }
0xc0: {  	_ =	sfence.sel $0xFFFF  }
0xc1: {  	[dreg:$0x0] =	wrdreg $0xFFFFFFFF;
	(pc) =	sbr.abs _section_cstart, $3  }
0xc2: {  	[dreg:$0x1] =	wrdreg $0xFFFFFFFF  }
0xc3: {  	_ =	task.clear_ibuf [dreg:s8], $0x2FFFF;
	_ =	strace $0x9FFFFFFF  }
0xc4: {  	(tm) =	ssettm $0x7FFFFFFF  }
0xc5: {  	_ =	shalt  }
tec
execute0_lowered:
.L_overlay_start_1:
0x0: {  	(tag) =	ssettag $0x1  }
0x1: {  	s0 =	rddreg [dreg:$0x0]  }
0x2: {  	s1 =	rddreg [dreg:$0x1]  }
0x3: {  	s2 =	srdreg.scid;
	s10 =	stileid.u32  }
0x4: {  	s3 =	rddreg [dreg:$0x2];
	s4 =	sand.u32 $0x1, s2;
	s5 =	sshll.u32 s10, $0x1  }
0x5: {  	s2 =	simm.s32 $0x0;
	s0 =	sadd.s32 $0xC00, s0;
	s10 =	smul.u32 $0x4E20, s10  }
0x6: {  	s5 =	sor.u32 s4, s5;
	s11 =	ssub.s32 $0x2, s4;
	s22 =	smul.u32 $0x2710, s4  }
0x7: {  	[smem:$0x7FF] =	sst s2;
	s5 =	smul.u32 $0x2710, s5;
	s7 =	sshrl.u32 s11, $0x1  }
0x8: {  	_ =	strace $0x80000047;
	[dreg:$0xc] =	wrdreg s0;
	s0 =	ssub.s32 s11, s7  }
0x9: {  	s6 =	sshrl.u32 s5, $0x2;
	s8 =	sand.u32 $0x70, s5;
	s5 =	sshrl.u32 s5, $0x3  }
0xa: {  	s0 =	smax.u32 s0, $0x1;
	s6 =	sand.u32 $0x1FFE0, s6;
	s12 =	sadd.s32 $0x1720, s8  }
0xb: {  	s14 =	sadd.s32 $0x1730, s8;
	s18 =	sadd.s32 $0x1740, s8;
	s20 =	sadd.s32 $0x1750, s8  }
0xc: {  	s25 =	sadd.s32 $0x1760, s8;
	s3 =	sadd.s32 s3, s5;
	[dreg:$0x1b] =	wrdreg s0  }
0xd: {  	s6 =	sadd.s32 s1, s6;
	s13 =	sshll.u32 s12, $0x1;
	s1 =	sand.u32 $0x70, s12  }
0xe: {  	s9 =	sshll.u32 s14, $0x1;
	s21 =	sshll.u32 s20, $0x1;
	s7 =	sand.u32 $0x70, s20  }
0xf: {  	s26 =	sand.u32 $0x70, s25;
	s4 =	sshll.u32 s25, $0x1;
	[dreg:$0x18] =	wrdreg s3  }
0x10: {  	s3 =	sadd.s32 $0x2EE, s3;
	[dreg:$0xd] =	wrdreg s6;
	s6 =	sadd.s32 $0x5C0, s6  }
0x11: {  	s16 =	sand.u32 $0x2F00, s9;
	s9 =	sand.u32 $0x2F00, s21;
	[dreg:$0x1a] =	wrdreg s3  }
0x12: {  	s4 =	sand.u32 $0x2F00, s4;
	[dreg:$0xe] =	wrdreg s6;
	s7 =	sor.u32 s7, s9  }
0x13: {  	s6 =	sand.u32 $0x2F00, s13;
	s4 =	sor.u32 s26, s4;
	[dreg:$0x14] =	wrdreg s7  }
0x14: {  	s15 =	sand.u32 $0x70, s14;
	s11 =	sor.u32 s1, s6;
	[dreg:$0x17] =	wrdreg s4  }
0x15: {  	s19 =	sshll.u32 s18, $0x1;
	s6 =	sor.u32 s15, s16;
	[dreg:$0xf] =	wrdreg s11  }
0x16: {  	s1 =	sand.u32 $0x70, s18;
	s24 =	sadd.s32 $0x4E80, s7;
	[dreg:$0x11] =	wrdreg s6  }
0x17: {  	s4 =	sadd.s32 $0x4E80, s4;
	s6 =	sadd.s32 $0x4E80, s6;
	[dreg:$0x16] =	wrdreg s24  }
0x18: {  	s17 =	sadd.s32 $0x4E80, s11;
	[dreg:$0x12] =	wrdreg s6;
	s6 =	sand.u32 $0x2F00, s19  }
0x19: {  	[dreg:$0x19] =	wrdreg s4;
	s6 =	sor.u32 s1, s6;
	s1 =	sadd.s32 s22, s10  }
0x1a: {  	[dreg:$0x10] =	wrdreg s17;
	s1 =	sshrl.u32 s1, $0x4  }
0x1b: {  	[dreg:$0x13] =	wrdreg s6;
	s23 =	sadd.s32 $0x4E80, s6;
	s1 =	sand.u32 $0x7, s1  }
0x1c: {  	[dreg:$0x15] =	wrdreg s23;
	s28 =	sshll.u32 s1, $0x5;
	s29 =	sshll.u32 s1, $0x4  }
0x1d: {  	[dreg:$0x4] =	wrdreg s29;
	s30 =	sadd.s32 $0xA0, s28  }
0x1e: {  	s31 =	sor.u32 $0x3000, s28;
	[dreg:$0x1c] =	wrdreg s30  }
0x1f: {  	s3 =	simm.s32 $0x0;
	[dreg:$0x1d] =	wrdreg s31  }
.LBB2_1:
0x20: {  	[dreg:$0x1e] =	wrdreg s3  }
0x21: {  	s0 =	rddreg [dreg:$0xc]  }
0x22: {  	[tilespmem:s2], [sflag:$0x1] =	stream.linear.gather [hbm4b:s0+s2], $0x4E80, $0x38;
	[tilespmem:$0xC700] =	vst v63  }
0x23: {  	s9 =	rddreg [dreg:$0xd];
	s1 =	simm.s32 $0x4E80  }
0x24: {  	[tilespmem:s1], [sflag:$0x1] =	stream.linear.gather [hbm4b:s9+s2], $0x3000, $0x38;
	[tilespmem:$0xC700] =	vst v63  }
0x25: {  	s10 =	rddreg [dreg:$0xe];
	s11 =	simm.s32 $0x7E80;
	s4 =	simm.s32 $0x1  }
0x26: {  	[tilespmem:s11], [sflag:$0x1] =	stream.linear.gather [hbm4b:s10+s2], $0x2100, $0x38;
	[tilespmem:$0xC700] =	vst v63  }
0x27: {  	_ =	swait.ge [sflag:s4], $0x4E80  }
0x28: {  	[sflag:s4] =	ssyncset.done $0x0  }
0x29: {  	[sflag:s4] =	ssyncadd.s32 $0xFFFFB180  }
0x2a: {  	s9 =	rddreg [dreg:$0x4];
	_ =	swait.ge [sflag:s4], $0x3000  }
0x2b: {  	s1 =	sadd.s32 $0xFFFFFF60, s9;
	s11 =	rddreg [dreg:$0x1c]  }
0x2c: {  	s12 =	sadd.s32 $0xA0, s1;
	s13 =	sadd.s32 $0xFFFFFF60, s11  }
0x2d: {  	[sflag:s4] =	ssyncset.done $0x0;
	s0 =	sand.u32 $0x70, s12;
	s3 =	sand.u32 $0x7F00, s13  }
0x2e: {  	[sflag:s4] =	ssyncadd.s32 $0xFFFFD000;
	s0 =	sor.u32 s0, s3  }
0x2f: {  	v0 =	vld [tilespmem:s0+$0x4F00]  }
0x30: {  	v1 =	vld [tilespmem:s0+$0x4E80]  }
0x31: {  	s14 =	sadd.s32 $0xF0, s1  }
0x32: {  	s15 =	sand.u32 $0x70, s14;
	s16 =	sand.u32 $0xFF00, s11  }
0x33: {  	s0 =	sor.u32 s15, s16  }
0x34: {  	v2 =	vld [tilespmem:s0+$0x4F00];
	v0 =	vadd.s32 $0x2710, v0  }
0x35: {  	v3 =	vld [tilespmem:s0+$0x4E80];
	_ =	sdelay $0x2  }
0x36: {  	v1 =	vld.idx.msk [tilespmem:v1+s2+$0x0], $0xffff  }
0x37: {  	v2 =	vadd.s32 $0x2710, v2;
	v0 =	vld.idx.msk [tilespmem:v0+s2+$0x0], $0xffff;
	_ =	sdelay $0x3  }
0x38: {  	v3 =	vld.idx.msk [tilespmem:v3+s2+$0x0], $0xffff  }
0x39: {  	s17 =	sadd.s32 $0xB0, s1;
	s18 =	sadd.s32 $0xFFFFFF80, s11;
	v0 =	vadd.f32 v0, v1;
	v1 =	vld.idx.msk [tilespmem:v2+s2+$0x0], $0xffff  }
0x3a: {  	s25 =	simm.s32 $0x9FD0;
	s3 =	sand.u32 $0xFF00, s18;
	s0 =	sand.u32 $0x70, s17  }
0x3b: {  	s0 =	sor.u32 s0, s3;
	[tilespmem:s25+$0xFFFFFFB0] =	vst v0  }
0x3c: {  	v0 =	vld [tilespmem:s0+$0x4F00]  }
0x3d: {  	v2 =	vld [tilespmem:s0+$0x4E80]  }
0x3e: {  	s19 =	sadd.s32 $0x100, s1;
	s20 =	sadd.s32 $0x20, s11;
	v1 =	vadd.f32 v1, v3  }
0x3f: {  	s3 =	sand.u32 $0x1FF00, s20;
	s0 =	sand.u32 $0x70, s19  }
0x40: {  	s0 =	sor.u32 s0, s3;
	[tilespmem:s25+$0x0] =	vst v1  }
0x41: {  	v1 =	vld [tilespmem:s0+$0x4F00];
	v0 =	vadd.s32 $0x2710, v0;
	_ =	sdelay $0x2  }
0x42: {  	s4 =	sadd.s32 $0x0, s9;
	s3 =	sadd.s32 $0x140, s11;
	v3 =	vld [tilespmem:s0+$0x4E80]  }
0x43: {  	s21 =	sadd.s32 $0xA0, s4;
	s5 =	sadd.s32 $0xFFFFFF60, s3;
	v2 =	vld.idx.msk [tilespmem:v2+s2+$0x0], $0xffff  }
0x44: {  	s5 =	sand.u32 $0x7F00, s5;
	s0 =	sand.u32 $0x70, s21;
	v1 =	vadd.s32 $0x2710, v1;
	v0 =	vld.idx.msk [tilespmem:v0+s2+$0x0], $0xffff  }
0x45: {  	s6 =	sadd.s32 $0xF0, s4;
	s0 =	sor.u32 s0, s5  }
0x46: {  	s22 =	sand.u32 $0x70, s6;
	s23 =	sand.u32 $0xFF00, s3;
	v4 =	vld [tilespmem:s0+$0x4F00]  }
0x47: {  	s5 =	sor.u32 s22, s23;
	v5 =	vld [tilespmem:s0+$0x4E80]  }
0x48: {  	v6 =	vld [tilespmem:s5+$0x4F00]  }
0x49: {  	s24 =	sadd.s32 $0xC0, s1;
	s7 =	sadd.s32 $0xFFFFFFA0, s11;
	v1 =	vld.idx.msk [tilespmem:v1+s2+$0x0], $0xffff;
	v0 =	vadd.f32 v0, v2  }
0x4a: {  	s7 =	sand.u32 $0xFF00, s7;
	s6 =	sand.u32 $0x70, s24;
	v2 =	vld [tilespmem:s5+$0x4E80]  }
0x4b: {  	s26 =	sor.u32 s6, s7;
	v4 =	vadd.s32 $0x2710, v4;
	[tilespmem:s25+$0xFFFFFFC0] =	vst v0;
	v0 =	vld.idx.msk [tilespmem:v3+s2+$0x0], $0xffff  }
0x4c: {  	v3 =	vld [tilespmem:s26+$0x4F00]  }
0x4d: {  	v7 =	vld [tilespmem:s26+$0x4E80];
	_ =	sdelay $0x2  }
0x4e: {  	s28 =	sadd.s32 $0x110, s1;
	s29 =	sadd.s32 $0x40, s11;
	v0 =	vadd.f32 v1, v0;
	v1 =	vld.idx.msk [tilespmem:v4+s2+$0x0], $0xffff  }
0x4f: {  	s0 =	sand.u32 $0x70, s28;
	s5 =	sand.u32 $0x1FF00, s29;
	v4 =	vld.idx.msk [tilespmem:v5+s2+$0x0], $0xffff;
	v5 =	vadd.s32 $0x2710, v6  }
0x50: {  	s0 =	sor.u32 s0, s5;
	v3 =	vadd.s32 $0x2710, v3;
	v2 =	vld.idx.msk [tilespmem:v2+s2+$0x0], $0xffff;
	[tilespmem:s25+$0x10] =	vst v0  }
0x51: {  	v0 =	vld [tilespmem:s0+$0x4F00]  }
0x52: {  	v6 =	vld [tilespmem:s0+$0x4E80]  }
0x53: {  	v7 =	vld.idx.msk [tilespmem:v7+s2+$0x0], $0xffff  }
0x54: {  	v1 =	vadd.f32 v1, v4;
	v4 =	vld.idx.msk [tilespmem:v5+s2+$0x0], $0xffff  }
0x55: {  	s6 =	sadd.s32 $0xFFFFFF80, s3;
	s5 =	sadd.s32 $0xB0, s4;
	v3 =	vld.idx.msk [tilespmem:v3+s2+$0x0], $0xffff  }
0x56: {  	s7 =	sand.u32 $0x70, s5;
	s5 =	sand.u32 $0xFF00, s6;
	s0 =	simm.s32 $0xA070;
	v0 =	vadd.s32 $0x2710, v0  }
0x57: {  	s5 =	sor.u32 s7, s5;
	[tilespmem:s0+$0xFFFFFFB0] =	vst v1  }
0x58: {  	s8 =	sadd.s32 $0xD0, s1;
	v1 =	vld [tilespmem:s5+$0x4F00]  }
0x59: {  	s13 =	sadd.s32 $0x100, s4;
	s6 =	sand.u32 $0x70, s8;
	s8 =	sadd.s32 $0x20, s3;
	v5 =	vld [tilespmem:s5+$0x4E80];
	v2 =	vadd.f32 v4, v2  }
0x5a: {  	s7 =	sand.u32 $0x70, s13;
	s8 =	sand.u32 $0x1FF00, s8;
	v3 =	vadd.f32 v3, v7;
	v4 =	vld.idx.msk [tilespmem:v6+s2+$0x0], $0xffff  }
0x5b: {  	s10 =	sadd.s32 $0xFFFFFFC0, s11;
	s14 =	sor.u32 s7, s8;
	[tilespmem:s0+$0x0] =	vst v2;
	v0 =	vld.idx.msk [tilespmem:v0+s2+$0x0], $0xffff  }
0x5c: {  	s12 =	sand.u32 $0xFF00, s10;
	[tilespmem:s25+$0xFFFFFFD0] =	vst v3;
	v3 =	vld [tilespmem:s14+$0x4F00]  }
0x5d: {  	s5 =	sor.u32 s6, s12;
	v1 =	vadd.s32 $0x2710, v1;
	v7 =	vld [tilespmem:s14+$0x4E80]  }
0x5e: {  	v2 =	vld [tilespmem:s5+$0x4F00]  }
0x5f: {  	s9 =	sadd.s32 $0xA0, s9;
	s22 =	sadd.s32 $0x140, s3;
	v6 =	vld [tilespmem:s5+$0x4E80]  }
0x60: {  	s15 =	sadd.s32 $0x120, s1;
	s21 =	sadd.s32 $0xA0, s9;
	s23 =	sadd.s32 $0xFFFFFF60, s22  }
0x61: {  	s16 =	sadd.s32 $0x60, s11;
	s7 =	sand.u32 $0x70, s21;
	s8 =	sand.u32 $0x7F00, s23;
	v0 =	vadd.f32 v0, v4;
	v4 =	vld.idx.msk [tilespmem:v5+s2+$0x0], $0xffff  }
0x62: {  	s17 =	sand.u32 $0x70, s15;
	s18 =	sand.u32 $0x1FF00, s16;
	s7 =	sor.u32 s7, s8;
	v1 =	vld.idx.msk [tilespmem:v1+s2+$0x0], $0xffff  }
0x63: {  	v9 =	vld [tilespmem:s7+$0x4E80];
	s5 =	sor.u32 s17, s18;
	[tilespmem:s25+$0x20] =	vst v0  }
0x64: {  	v2 =	vadd.s32 $0x2710, v2;
	v0 =	vadd.s32 $0x2710, v3;
	v3 =	vld [tilespmem:s5+$0x4E80]  }
0x65: {  	v5 =	vld [tilespmem:s5+$0x4F00]  }
0x66: {  	v7 =	vld.idx.msk [tilespmem:v7+s2+$0x0], $0xffff  }
0x67: {  	s10 =	sadd.s32 $0xF0, s9;
	v1 =	vadd.f32 v1, v4;
	v4 =	vld.idx.msk [tilespmem:v6+s2+$0x0], $0xffff  }
0x68: {  	s10 =	sand.u32 $0x70, s10;
	v6 =	vld [tilespmem:s7+$0x4F00]  }
0x69: {  	s19 =	sadd.s32 $0xC0, s4;
	s20 =	sadd.s32 $0xFFFFFFA0, s3;
	s24 =	sand.u32 $0xFF00, s22;
	v2 =	vld.idx.msk [tilespmem:v2+s2+$0x0], $0xffff  }
0x6a: {  	s8 =	sor.u32 s10, s24;
	s6 =	sand.u32 $0xFF00, s20;
	s5 =	sand.u32 $0x70, s19;
	v0 =	vld.idx.msk [tilespmem:v0+s2+$0x0], $0xffff  }
0x6b: {  	s5 =	sor.u32 s5, s6;
	[tilespmem:s0+$0xFFFFFFC0] =	vst v1;
	v1 =	vld [tilespmem:s8+$0x4E80];
	v5 =	vadd.s32 $0x2710, v5  }
0x6c: {  	v8 =	vld [tilespmem:s5+$0x4F00]  }
0x6d: {  	v3 =	vld.idx.msk [tilespmem:v3+s2+$0x0], $0xffff  }
0x6e: {  	v6 =	vadd.s32 $0x2710, v6;
	v2 =	vadd.f32 v2, v4;
	v4 =	vld [tilespmem:s5+$0x4E80]  }
0x6f: {  	s28 =	sadd.s32 $0xFFFFFFE0, s11;
	s26 =	sadd.s32 $0xE0, s1;
	v0 =	vadd.f32 v0, v7;
	v7 =	vld.idx.msk [tilespmem:v9+s2+$0x0], $0xffff  }
0x70: {  	s6 =	sand.u32 $0x70, s26;
	s7 =	sand.u32 $0xFF00, s28;
	v5 =	vld.idx.msk [tilespmem:v5+s2+$0x0], $0xffff  }
0x71: {  	s29 =	sor.u32 s6, s7;
	[tilespmem:s25+$0xFFFFFFE0] =	vst v2;
	v2 =	vld [tilespmem:s8+$0x4F00]  }
0x72: {  	s10 =	sadd.s32 $0x40, s3;
	s8 =	sadd.s32 $0x110, s4;
	v8 =	vadd.s32 $0x2710, v8;
	v10 =	vld [tilespmem:s29+$0x4F00]  }
0x73: {  	s7 =	sand.u32 $0x1FF00, s10;
	s6 =	sand.u32 $0x70, s8;
	v6 =	vld.idx.msk [tilespmem:v6+s2+$0x0], $0xffff  }
0x74: {  	[tilespmem:s0+$0x10] =	vst v0;
	v1 =	vld.idx.msk [tilespmem:v1+s2+$0x0], $0xffff;
	s6 =	sor.u32 s6, s7  }
0x75: {  	v0 =	vadd.f32 v5, v3;
	v3 =	vld [tilespmem:s6+$0x4F00]  }
0x76: {  	s15 =	sadd.s32 $0xD0, s4;
	s16 =	sadd.s32 $0xFFFFFFC0, s3;
	v5 =	vld [tilespmem:s29+$0x4E80]  }
0x77: {  	s1 =	sadd.s32 $0x130, s1;
	s13 =	sadd.s32 $0x80, s11;
	s12 =	simm.s32 $0x0;
	v2 =	vadd.s32 $0x2710, v2;
	v8 =	vld.idx.msk [tilespmem:v8+s2+$0x0], $0xffff  }
0x78: {  	s1 =	sand.u32 $0x70, s1;
	s14 =	sand.u32 $0x1FF00, s13;
	s7 =	sand.u32 $0x1FE0, s12;
	v4 =	vld.idx.msk [tilespmem:v4+s2+$0x0], $0xffff  }
0x79: {  	s11 =	sadd.s32 $0x40, s22;
	s21 =	sadd.s32 $0xE0, s4;
	s5 =	sor.u32 s1, s14;
	[tilespmem:s7+$0xA000] =	vst v0;
	v0 =	vld [tilespmem:s6+$0x4E80];
	v6 =	vadd.f32 v6, v7  }
0x7a: {  	s18 =	sadd.s32 $0xB0, s9;
	s19 =	sadd.s32 $0xFFFFFF80, s22;
	s1 =	simm.s32 $0xA110;
	v9 =	vld [tilespmem:s5+$0x4E80]  }
0x7b: {  	s23 =	sadd.s32 $0xFFFFFFE0, s3;
	s20 =	sand.u32 $0x70, s18;
	s10 =	sand.u32 $0xFF00, s19;
	[tilespmem:s1+$0xFFFFFFB0] =	vst v6;
	v6 =	vld [tilespmem:s5+$0x4F00];
	v3 =	vadd.s32 $0x2710, v3  }
0x7c: {  	s31 =	sand.u32 $0x70, s21;
	s24 =	sand.u32 $0xFF00, s23;
	s10 =	sor.u32 s20, s10;
	v2 =	vld.idx.msk [tilespmem:v2+s2+$0x0], $0xffff  }
0x7d: {  	s13 =	sadd.s32 $0x60, s3;
	s3 =	sadd.s32 $0x80, s3;
	s17 =	sadd.s32 $0x120, s4;
	v7 =	vld [tilespmem:s10+$0x4F00]  }
0x7e: {  	s26 =	simm.s32 $0xA0;
	s28 =	sadd.s32 $0x100, s9;
	v11 =	vld [tilespmem:s10+$0x4E80];
	[dreg:$0x6] =	wrdreg s24  }
0x7f: {  	s19 =	sand.u32 $0x70, s17;
	s4 =	sadd.s32 $0x130, s4;
	[dreg:$0x5] =	wrdreg s3  }
0x80: {  	s17 =	sadd.s32 $0xE0, s9;
	s20 =	sadd.s32 $0xFFFFFFE0, s22;
	s23 =	sand.u32 $0x70, s4;
	v4 =	vadd.f32 v8, v4;
	v3 =	vld.idx.msk [tilespmem:v3+s2+$0x0], $0xffff  }
0x81: {  	s6 =	sand.u32 $0x70, s15;
	s7 =	sand.u32 $0xFF00, s16;
	s5 =	sadd.s32 $0x110, s9;
	v8 =	vld.idx.msk [tilespmem:v0+s2+$0x0], $0xffff  }
0x82: {  	s7 =	sor.u32 s6, s7;
	s3 =	sadd.s32 $0x20, s22;
	s6 =	sand.u32 $0x70, s5;
	[tilespmem:s0+$0xFFFFFFD0] =	vst v4;
	v2 =	vadd.f32 v2, v1;
	v0 =	vld.idx.msk [tilespmem:v5+s2+$0x0], $0xffff  }
0x83: {  	s4 =	sand.u32 $0x70, s28;
	s10 =	sand.u32 $0x1FF00, s3;
	v5 =	vadd.s32 $0x2710, v7;
	v1 =	vld.idx.msk [tilespmem:v9+s2+$0x0], $0xffff;
	[dreg:$0x8] =	wrdreg s6  }
0x84: {  	s14 =	sadd.s32 $0xFFFFFFA0, s22;
	s8 =	sadd.s32 $0xD0, s9;
	s21 =	sor.u32 s4, s10;
	v9 =	vadd.s32 $0x2710, v10;
	[tilespmem:s1+$0x0] =	vst v2;
	v10 =	vld [tilespmem:s7+$0x4F00]  }
0x85: {  	s28 =	sadd.s32 $0x130, s9;
	s12 =	sadd.s32 $0x120, s9;
	s18 =	sand.u32 $0x70, s8;
	v12 =	vadd.s32 $0x2710, v6;
	v13 =	vld [tilespmem:s21+$0x4F00]  }
0x86: {  	s8 =	sadd.s32 $0x60, s22;
	s30 =	sand.u32 $0x70, s28;
	s24 =	sand.u32 $0x70, s17;
	v4 =	vld [tilespmem:s7+$0x4E80]  }
0x87: {  	s29 =	sadd.s32 $0xC0, s9;
	s16 =	simm.s32 $0x140;
	v6 =	vld.idx.msk [tilespmem:v11+s2+$0x0], $0xffff;
	[dreg:$0x7] =	wrdreg s24  }
0x88: {  	s15 =	sand.u32 $0x70, s29;
	s29 =	sand.u32 $0x1FF00, s13;
	s10 =	sadd.s32 $0xFFFFFFC0, s22;
	v3 =	vadd.f32 v3, v8;
	v7 =	vld.idx.msk [tilespmem:v5+s2+$0x0], $0xffff  }
0x89: {  	s13 =	sadd.s32 $0x80, s22;
	s17 =	simm.s32 $0x140;
	s10 =	sand.u32 $0xFF00, s10;
	v2 =	vld.idx.msk [tilespmem:v9+s2+$0x0], $0xffff;
	v5 =	vadd.s32 $0x2710, v10  }
0x8a: {  	s6 =	sand.u32 $0x70, s12;
	s12 =	sand.u32 $0xFF00, s20;
	s20 =	sor.u32 s19, s29;
	[tilespmem:s0+$0x20] =	vst v3;
	v3 =	vld.idx.msk [tilespmem:v12+s2+$0x0], $0xffff;
	v8 =	vadd.s32 $0x2710, v13  }
.LBB2_2:
0x8b: {  	[dreg:$0x9] =	wrdreg s6;
	v9 =	vld [tilespmem:s20+$0x4E80]  }
0x8c: {  	s3 =	rddreg [dreg:$0x4];
	s22 =	sadd.s32 $0x140, s22;
	v10 =	vld [tilespmem:s20+$0x4F00];
	s6 =	smov.u32 s17  }
0x8d: {  	v11 =	vld [tilespmem:s21+$0x4E80];
	s17 =	smov.u32 s12;
	s12 =	smov.u32 s31;
	s19 =	sadd.s32 s16, s3;
	v6 =	vadd.f32 v7, v6  }
0x8e: {  	v5 =	vld.idx.msk [tilespmem:v5+s2+$0x0], $0xffff;
	s14 =	sand.u32 $0xFF00, s14;
	s28 =	sadd.s32 $0xFFFFFF60, s22;
	s24 =	sadd.s32 $0xA0, s19  }
0x8f: {  	s29 =	sadd.s32 $0xF0, s19;
	s4 =	sand.u32 $0x7F00, s28;
	s3 =	sand.u32 $0x70, s24;
	v7 =	vld.idx.msk [tilespmem:v8+s2+$0x0], $0xffff;
	[tilespmem:s1+$0xFFFFFFC0] =	vst v6  }
0x90: {  	s9 =	sand.u32 $0xFF00, s22;
	s5 =	sand.u32 $0x70, s29;
	s20 =	sor.u32 s3, s4;
	v0 =	vadd.f32 v2, v0;
	v2 =	vld.idx.msk [tilespmem:v4+s2+$0x0], $0xffff  }
0x91: {  	s7 =	sadd.s32 $0xB0, s19;
	s31 =	sor.u32 s5, s9;
	v1 =	vadd.f32 v3, v1;
	s5 =	smov.u32 s25;
	v3 =	vld [tilespmem:s20+$0x4F00];
	v4 =	vadd.s32 $0x2710, v10  }
0x92: {  	s14 =	sor.u32 s15, s14;
	s28 =	sadd.s32 $0xC0, s19;
	s21 =	sand.u32 $0x70, s7;
	[tilespmem:s5+$0xFFFFFFF0] =	vst v0;
	v0 =	vld [tilespmem:s31+$0x4E80]  }
0x93: {  	s24 =	sadd.s32 $0x100, s19;
	s7 =	sadd.s32 $0xD0, s19;
	[dreg:$0xb] =	wrdreg s21;
	[tilespmem:s5+$0x40] =	vst v1;
	v1 =	vld [tilespmem:s14+$0x4F00]  }
0x94: {  	s4 =	smov.u32 s23;
	s23 =	sadd.s32 $0xFFFFFFA0, s22;
	s29 =	sand.u32 $0x70, s24;
	v6 =	vld [tilespmem:s20+$0x4E80]  }
0x95: {  	s25 =	sand.u32 $0x70, s28;
	s3 =	sadd.s32 $0x110, s19;
	s28 =	smov.u32 s18;
	v8 =	vld.idx.msk [tilespmem:v11+s2+$0x0], $0xffff  }
0x96: {  	s18 =	smov.u32 s13;
	s13 =	smov.u32 s26;
	s9 =	sadd.s32 $0xFFFFFFC0, s22;
	v4 =	vld.idx.msk [tilespmem:v4+s2+$0x0], $0xffff  }
0x97: {  	s21 =	sand.u32 $0x70, s7;
	s7 =	sadd.s32 $0xE0, s19;
	[dreg:$0xa] =	wrdreg s29;
	v2 =	vadd.f32 v5, v2;
	v5 =	vld.idx.msk [tilespmem:v9+s2+$0x0], $0xffff  }
0x98: {  	s26 =	sand.u32 $0x70, s3;
	v3 =	vadd.s32 $0x2710, v3;
	v9 =	vld [tilespmem:s14+$0x4E80];
	s14 =	smov.u32 s23;
	s23 =	rddreg [dreg:$0x6]  }
0x99: {  	s7 =	sand.u32 $0x70, s7;
	s23 =	sor.u32 s12, s23;
	s12 =	rddreg [dreg:$0x7];
	[tilespmem:s0+$0xFFFFFFE0] =	vst v2;
	v2 =	vld [tilespmem:s31+$0x4F00]  }
0x9a: {  	s3 =	sadd.s32 $0x40, s22;
	s31 =	smov.u32 s12;
	s12 =	smov.u32 s7;
	v10 =	vld [tilespmem:s23+$0x4F00]  }
0x9b: {  	s13 =	sand.u32 $0x1FE0, s13;
	s5 =	sadd.s32 $0x120, s19;
	v7 =	vadd.f32 v7, v8;
	v1 =	vadd.s32 $0x2710, v1;
	[dreg:$0x7] =	wrdreg s12;
	v0 =	vld.idx.msk [tilespmem:v0+s2+$0x0], $0xffff  }
0x9c: {  	s7 =	sand.u32 $0x1FF00, s11;
	s12 =	smov.u32 s17;
	s17 =	rddreg [dreg:$0x8];
	v6 =	vld.idx.msk [tilespmem:v6+s2+$0x0], $0xffff  }
0x9d: {  	s11 =	smov.u32 s3;
	[tilespmem:s1+$0x10] =	vst v7;
	s3 =	sor.u32 s17, s7;
	s7 =	smov.u32 s26;
	v3 =	vld.idx.msk [tilespmem:v3+s2+$0x0], $0xffff  }
0x9e: {  	s20 =	sand.u32 $0xFF00, s9;
	s9 =	sadd.s32 $0xFFFFFFE0, s22;
	v4 =	vadd.f32 v4, v5;
	[dreg:$0x8] =	wrdreg s7;
	v5 =	vld [tilespmem:s3+$0x4F00]  }
0x9f: {  	s29 =	sand.u32 $0x70, s5;
	s5 =	sand.u32 $0xFF00, s9;
	v7 =	vld [tilespmem:s23+$0x4E80];
	s7 =	rddreg [dreg:$0x5];
	v2 =	vadd.s32 $0x2710, v2  }
0xa0: {  	[dreg:$0x6] =	wrdreg s12;
	s12 =	smov.u32 s5;
	s5 =	sand.u32 $0x1FF00, s7;
	v1 =	vld.idx.msk [tilespmem:v1+s2+$0x0], $0xffff;
	[tilespmem:s13+$0xA000] =	vst v4  }
0xa1: {  	s13 =	smov.u32 s18;
	s18 =	sor.u32 s4, s5;
	v4 =	vld [tilespmem:s3+$0x4E80]  }
0xa2: {  	s15 =	smov.u32 s25;
	s25 =	smov.u32 s0;
	v8 =	vadd.s32 $0x2710, v10;
	v10 =	vld [tilespmem:s18+$0x4E80]  }
0xa3: {  	s0 =	smov.u32 s1;
	s1 =	sadd.s32 $0xA0, s1;
	s4 =	sadd.s32 $0xFFFFFF80, s22;
	v3 =	vadd.f32 v3, v6;
	v6 =	vld.idx.msk [tilespmem:v9+s2+$0x0], $0xffff;
	v5 =	vadd.s32 $0x2710, v5  }
0xa4: {  	s26 =	smov.u32 s6;
	s6 =	rddreg [dreg:$0xb];
	s5 =	sand.u32 $0xFF00, s4;
	v2 =	vld.idx.msk [tilespmem:v2+s2+$0x0], $0xffff  }
0xa5: {  	s5 =	sor.u32 s6, s5;
	[tilespmem:s1+$0xFFFFFFB0] =	vst v3;
	v3 =	vld [tilespmem:s18+$0x4F00]  }
0xa6: {  	v9 =	vld [tilespmem:s5+$0x4F00]  }
0xa7: {  	s19 =	sadd.s32 $0x130, s19;
	v11 =	vld [tilespmem:s5+$0x4E80]  }
0xa8: {  	s19 =	sand.u32 $0x70, s19;
	v5 =	vld.idx.msk [tilespmem:v5+s2+$0x0], $0xffff  }
0xa9: {  	s23 =	smov.u32 s30;
	s30 =	smov.u32 s19;
	s19 =	rddreg [dreg:$0xa];
	v1 =	vadd.f32 v1, v6;
	v12 =	vld.idx.msk [tilespmem:v4+s2+$0x0], $0xffff  }
0xaa: {  	s9 =	sadd.s32 $0x80, s22;
	s7 =	sadd.s32 $0x20, s22;
	[dreg:$0x5] =	wrdreg s13;
	v2 =	vadd.f32 v2, v0;
	v0 =	vld.idx.msk [tilespmem:v7+s2+$0x0], $0xffff  }
0xab: {  	s13 =	smov.u32 s9;
	s3 =	sand.u32 $0x1FF00, s7;
	s9 =	sor.u32 s28, s10;
	[tilespmem:s0+$0xFFFFFFD0] =	vst v1;
	v1 =	vld.idx.msk [tilespmem:v10+s2+$0x0], $0xffff;
	v7 =	vadd.s32 $0x2710, v9  }
0xac: {  	s16 =	sadd.s32 $0xA0, s16;
	s18 =	smov.u32 s21;
	s21 =	sor.u32 s19, s3;
	[tilespmem:s1+$0x0] =	vst v2;
	v2 =	vld [tilespmem:s9+$0x4F00]  }
0xad: {  	p0 =	slt.u32 s16, $0x1680;
	v3 =	vadd.s32 $0x2710, v3;
	v9 =	vld [tilespmem:s21+$0x4F00]  }
.Ltmp0:
0xae: {  	v4 =	vld [tilespmem:s9+$0x4E80];
	(pc) =	sbr.rel @p0 .LBB2_2-.Ltmp0, $4  }
0xaf: {  	v6 =	vld.idx.msk [tilespmem:v11+s2+$0x0], $0xffff;
	v10 =	vadd.f32 v5, v12  }
0xb0: {  	s24 =	sadd.s32 $0x60, s22;
	s17 =	smov.u32 s16;
	v7 =	vld.idx.msk [tilespmem:v7+s2+$0x0], $0xffff  }
0xb1: {  	s10 =	smov.u32 s20;
	s20 =	sand.u32 $0x1FF00, s8;
	s28 =	rddreg [dreg:$0x9];
	[tilespmem:s0+$0x20] =	vst v10;
	v5 =	vadd.s32 $0x2710, v2;
	v2 =	vld.idx.msk [tilespmem:v8+s2+$0x0], $0xffff  }
0xb2: {  	s8 =	smov.u32 s24;
	s20 =	sor.u32 s28, s20;
	s6 =	smov.u32 s29;
	v3 =	vld.idx.msk [tilespmem:v3+s2+$0x0], $0xffff;
	v8 =	vadd.s32 $0x2710, v9  }
0xb3: {  	v9 =	vld [tilespmem:s21+$0x4E80];
	_ =	sdelay $0x6  }
0xb4: {  	v8 =	vld.idx.msk [tilespmem:v8+s2+$0x0], $0xffff  }
0xb5: {  	v6 =	vadd.f32 v7, v6;
	v9 =	vld.idx.msk [tilespmem:v9+s2+$0x0], $0xffff  }
0xb6: {  	s3 =	sand.u32 $0xFF00, s14  }
0xb7: {  	s3 =	sor.u32 s15, s3;
	[tilespmem:s1+$0xFFFFFFC0] =	vst v6  }
0xb8: {  	v7 =	vld [tilespmem:s3+$0x4F00];
	_ =	sdelay $0x1  }
0xb9: {  	v6 =	vadd.f32 v8, v9  }
0xba: {  	s5 =	sand.u32 $0x1FF00, s11;
	s4 =	rddreg [dreg:$0x8];
	v8 =	vld [tilespmem:s3+$0x4E80]  }
0xbb: {  	s5 =	sor.u32 s4, s5;
	[tilespmem:s1+$0x10] =	vst v6  }
0xbc: {  	v7 =	vadd.s32 $0x2710, v7;
	v6 =	vld [tilespmem:s5+$0x4F00]  }
0xbd: {  	v9 =	vld [tilespmem:s5+$0x4E80];
	_ =	sdelay $0x3  }
0xbe: {  	v7 =	vld.idx.msk [tilespmem:v7+s2+$0x0], $0xffff;
	v6 =	vadd.s32 $0x2710, v6  }
0xbf: {  	v8 =	vld.idx.msk [tilespmem:v8+s2+$0x0], $0xffff;
	_ =	sdelay $0x2  }
0xc0: {  	v9 =	vld.idx.msk [tilespmem:v9+s2+$0x0], $0xffff  }
0xc1: {  	v6 =	vld.idx.msk [tilespmem:v6+s2+$0x0], $0xffff  }
0xc2: {  	v7 =	vadd.f32 v7, v8  }
0xc3: {  	v8 =	vld [tilespmem:s20+$0x4F00]  }
0xc4: {  	s29 =	sor.u32 s18, s10;
	[tilespmem:s1+$0xFFFFFFD0] =	vst v7  }
0xc5: {  	v7 =	vld [tilespmem:s29+$0x4F00]  }
0xc6: {  	v6 =	vadd.f32 v6, v9;
	v9 =	vld [tilespmem:s20+$0x4E80]  }
0xc7: {  	s4 =	sand.u32 $0x1FF00, s8;
	v10 =	vld [tilespmem:s29+$0x4E80]  }
0xc8: {  	s5 =	sor.u32 s6, s4;
	v8 =	vadd.s32 $0x2710, v8;
	[tilespmem:s1+$0x20] =	vst v6  }
0xc9: {  	v6 =	vld [tilespmem:s5+$0x4F00]  }
0xca: {  	v5 =	vld.idx.msk [tilespmem:v5+s2+$0x0], $0xffff  }
0xcb: {  	v4 =	vld.idx.msk [tilespmem:v4+s2+$0x0], $0xffff;
	v7 =	vadd.s32 $0x2710, v7  }
0xcc: {  	v11 =	vld [tilespmem:s5+$0x4E80]  }
0xcd: {  	v8 =	vld.idx.msk [tilespmem:v8+s2+$0x0], $0xffff  }
0xce: {  	v6 =	vadd.s32 $0x2710, v6;
	v9 =	vld.idx.msk [tilespmem:v9+s2+$0x0], $0xffff  }
0xcf: {  	v10 =	vld.idx.msk [tilespmem:v10+s2+$0x0], $0xffff  }
0xd0: {  	v7 =	vld.idx.msk [tilespmem:v7+s2+$0x0], $0xffff  }
0xd1: {  	v4 =	vadd.f32 v5, v4;
	_ =	sdelay $0x1  }
0xd2: {  	[tilespmem:s0+$0xFFFFFFE0] =	vst v4;
	v5 =	vld.idx.msk [tilespmem:v6+s2+$0x0], $0xffff;
	v4 =	vadd.f32 v8, v9  }
0xd3: {  	s7 =	sand.u32 $0x1FE0, s26;
	s6 =	rddreg [dreg:$0x6];
	v6 =	vld.idx.msk [tilespmem:v11+s2+$0x0], $0xffff  }
0xd4: {  	s8 =	rddreg [dreg:$0x5];
	s3 =	sor.u32 s31, s6;
	[tilespmem:s7+$0xA000] =	vst v4;
	v4 =	vadd.f32 v7, v10  }
0xd5: {  	s9 =	sand.u32 $0x1FF00, s8;
	v8 =	vld [tilespmem:s3+$0x4F00]  }
0xd6: {  	s10 =	sor.u32 s23, s9;
	v9 =	vld [tilespmem:s3+$0x4E80];
	[tilespmem:s1+$0xFFFFFFE0] =	vst v4  }
0xd7: {  	v7 =	vld [tilespmem:s10+$0x4E80];
	s11 =	rddreg [dreg:$0x7]  }
0xd8: {  	v10 =	vld [tilespmem:s10+$0x4F00];
	v4 =	vadd.f32 v5, v6;
	s3 =	sor.u32 s11, s12  }
0xd9: {  	s14 =	sand.u32 $0x1FE0, s17;
	s15 =	sand.u32 $0x1FF00, s13;
	v5 =	vld [tilespmem:s3+$0x4F00]  }
0xda: {  	s16 =	sor.u32 s30, s15;
	v6 =	vld [tilespmem:s3+$0x4E80];
	[tilespmem:s14+$0xA000] =	vst v4  }
0xdb: {  	v8 =	vadd.s32 $0x2710, v8;
	v4 =	vld [tilespmem:s16+$0x4E80]  }
0xdc: {  	v11 =	vld [tilespmem:s16+$0x4F00]  }
0xdd: {  	v10 =	vadd.s32 $0x2710, v10;
	_ =	sdelay $0x1  }
0xde: {  	v9 =	vld.idx.msk [tilespmem:v9+s2+$0x0], $0xffff  }
0xdf: {  	v8 =	vld.idx.msk [tilespmem:v8+s2+$0x0], $0xffff;
	v5 =	vadd.s32 $0x2710, v5  }
0xe0: {  	v7 =	vld.idx.msk [tilespmem:v7+s2+$0x0], $0xffff;
	v11 =	vadd.s32 $0x2710, v11  }
0xe1: {  	v10 =	vld.idx.msk [tilespmem:v10+s2+$0x0], $0xffff  }
0xe2: {  	v6 =	vld.idx.msk [tilespmem:v6+s2+$0x0], $0xffff  }
0xe3: {  	v4 =	vld.idx.msk [tilespmem:v4+s2+$0x0], $0xffff  }
0xe4: {  	v5 =	vld.idx.msk [tilespmem:v5+s2+$0x0], $0xffff  }
0xe5: {  	v0 =	vadd.f32 v2, v0;
	v2 =	vld.idx.msk [tilespmem:v11+s2+$0x0], $0xffff  }
0xe6: {  	v1 =	vadd.f32 v3, v1  }
0xe7: {  	[tilespmem:s25+$0xFFFFFFF0] =	vst v0;
	v0 =	vadd.f32 v8, v9  }
0xe8: {  	[tilespmem:s25+$0x40] =	vst v1;
	v1 =	vadd.f32 v10, v7  }
0xe9: {  	[tilespmem:s0+$0xFFFFFFF0] =	vst v0;
	v0 =	vadd.f32 v5, v6  }
0xea: {  	[tilespmem:s0+$0x40] =	vst v1;
	v1 =	vadd.f32 v2, v4  }
0xeb: {  	[tilespmem:s1+$0xFFFFFFF0] =	vst v0  }
0xec: {  	[tilespmem:s1+$0x40] =	vst v1  }
0xed: {  	s0 =	rddreg [dreg:$0x10]  }
0xee: {  	s17 =	rddreg [dreg:$0xf];
	v0 =	vld [tilespmem:s0+$0x80]  }
0xef: {  	v1 =	vld [tilespmem:s17+$0x4E80];
	_ =	sdelay $0x3  }
0xf0: {  	v0 =	vadd.s32 $0x2710, v0;
	_ =	sdelay $0x3  }
0xf1: {  	v1 =	vld.idx.msk [tilespmem:v1+s2+$0x0], $0xffff  }
0xf2: {  	v0 =	vld.idx.msk [tilespmem:v0+s2+$0x0], $0xffff;
	_ =	sdelay $0x4  }
0xf3: {  	v0 =	vadd.f32 v0, v1;
	_ =	sdelay $0x1  }
0xf4: {  	s18 =	rddreg [dreg:$0x12];
	[tilespmem:$0xB6A0] =	vst v0  }
0xf5: {  	s19 =	rddreg [dreg:$0x11];
	v0 =	vld [tilespmem:s18+$0x80]  }
0xf6: {  	v1 =	vld [tilespmem:s19+$0x4E80];
	_ =	sdelay $0x3  }
0xf7: {  	v0 =	vadd.s32 $0x2710, v0;
	_ =	sdelay $0x3  }
0xf8: {  	v1 =	vld.idx.msk [tilespmem:v1+s2+$0x0], $0xffff  }
0xf9: {  	v0 =	vld.idx.msk [tilespmem:v0+s2+$0x0], $0xffff;
	_ =	sdelay $0x4  }
0xfa: {  	v0 =	vadd.f32 v0, v1;
	_ =	sdelay $0x1  }
0xfb: {  	s20 =	rddreg [dreg:$0x15];
	[tilespmem:$0xB6B0] =	vst v0  }
0xfc: {  	s21 =	rddreg [dreg:$0x13];
	v0 =	vld [tilespmem:s20+$0x80]  }
0xfd: {  	v1 =	vld [tilespmem:s21+$0x4E80];
	_ =	sdelay $0x3  }
0xfe: {  	v0 =	vadd.s32 $0x2710, v0;
	_ =	sdelay $0x3  }
0xff: {  	v1 =	vld.idx.msk [tilespmem:v1+s2+$0x0], $0xffff  }
0x100: {  	v0 =	vld.idx.msk [tilespmem:v0+s2+$0x0], $0xffff;
	_ =	sdelay $0x4  }
0x101: {  	v0 =	vadd.f32 v0, v1;
	_ =	sdelay $0x1  }
0x102: {  	s22 =	rddreg [dreg:$0x16];
	[tilespmem:$0xB6C0] =	vst v0  }
0x103: {  	s23 =	rddreg [dreg:$0x14];
	v0 =	vld [tilespmem:s22+$0x80]  }
0x104: {  	v1 =	vld [tilespmem:s23+$0x4E80];
	_ =	sdelay $0x3  }
0x105: {  	v0 =	vadd.s32 $0x2710, v0;
	_ =	sdelay $0x3  }
0x106: {  	v1 =	vld.idx.msk [tilespmem:v1+s2+$0x0], $0xffff  }
0x107: {  	v0 =	vld.idx.msk [tilespmem:v0+s2+$0x0], $0xffff;
	_ =	sdelay $0x4  }
0x108: {  	v0 =	vadd.f32 v0, v1;
	_ =	sdelay $0x1  }
0x109: {  	s24 =	rddreg [dreg:$0x19];
	[tilespmem:$0xB6D0] =	vst v0  }
0x10a: {  	s25 =	rddreg [dreg:$0x17];
	v0 =	vld [tilespmem:s24+$0x80]  }
0x10b: {  	v1 =	vld [tilespmem:s25+$0x4E80];
	_ =	sdelay $0x3  }
0x10c: {  	v0 =	vadd.s32 $0x2710, v0;
	_ =	sdelay $0x3  }
0x10d: {  	v1 =	vld.idx.msk [tilespmem:v1+s2+$0x0], $0xffff  }
0x10e: {  	v0 =	vld.idx.msk [tilespmem:v0+s2+$0x0], $0xffff;
	_ =	sdelay $0x4  }
0x10f: {  	v0 =	vadd.f32 v0, v1;
	_ =	sdelay $0x1  }
0x110: {  	s28 =	simm.s32 $0x9F80;
	s29 =	simm.s32 $0x1;
	s26 =	rddreg [dreg:$0x18];
	[tilespmem:$0xB6E0] =	vst v0  }
0x111: {  	[hbm4b:s26+s2] =	stream.linear.scatter [tilespmem:s28], [sflag:$0x2], $0x1770, $0x38;
	[tilespmem:$0xC700] =	vst v63  }
0x112: {  	s10 =	rddreg [dreg:$0x4];
	_ =	swait.ge [sflag:s29], $0x2100  }
0x113: {  	s3 =	sadd.s32 $0x16D0, s10;
	s12 =	rddreg [dreg:$0x1d]  }
0x114: {  	s5 =	sadd.s32 $0xF0, s3;
	s30 =	sadd.s32 $0xFFFFFF80, s12  }
0x115: {  	s1 =	sand.u32 $0x70, s5;
	[sflag:s29] =	ssyncset.done $0x0;
	s0 =	sand.u32 $0x1FF00, s30  }
0x116: {  	[sflag:s29] =	ssyncadd.s32 $0xFFFFDF00;
	s0 =	sor.u32 s1, s0  }
0x117: {  	v0 =	vld [tilespmem:s0+$0x5100]  }
0x118: {  	v1 =	vld [tilespmem:s0+$0x5080];
	_ =	sdelay $0x3  }
0x119: {  	v0 =	vadd.s32 $0x2710, v0;
	_ =	sdelay $0x3  }
0x11a: {  	s6 =	sadd.s32 $0xA0, s3;
	s7 =	sadd.s32 $0xFFFFFEE0, s12;
	v1 =	vld.idx.msk [tilespmem:v1+s2+$0x0], $0xffff  }
0x11b: {  	s1 =	sand.u32 $0xFF00, s7;
	s0 =	sand.u32 $0x70, s6;
	v0 =	vld.idx.msk [tilespmem:v0+s2+$0x0], $0xffff  }
0x11c: {  	s0 =	sor.u32 s0, s1  }
0x11d: {  	v2 =	vld [tilespmem:s0+$0x5100]  }
0x11e: {  	v3 =	vld [tilespmem:s0+$0x5080];
	_ =	sdelay $0x1  }
0x11f: {  	s8 =	sadd.s32 $0x100, s3;
	s9 =	sadd.s32 $0xFFFFFFA0, s12;
	v0 =	vadd.f32 v0, v1  }
0x120: {  	s31 =	simm.s32 $0xB6F0;
	s1 =	sand.u32 $0x3FF00, s9;
	s0 =	sand.u32 $0x70, s8  }
0x121: {  	s0 =	sor.u32 s0, s1;
	v1 =	vadd.s32 $0x2710, v2;
	[tilespmem:s31+$0x50] =	vst v0  }
0x122: {  	v0 =	vld [tilespmem:s0+$0x5100]  }
0x123: {  	v2 =	vld [tilespmem:s0+$0x5080];
	_ =	sdelay $0x1  }
0x124: {  	v3 =	vld.idx.msk [tilespmem:v3+s2+$0x0], $0xffff  }
0x125: {  	v1 =	vld.idx.msk [tilespmem:v1+s2+$0x0], $0xffff  }
0x126: {  	v0 =	vadd.s32 $0x2710, v0;
	_ =	sdelay $0x2  }
0x127: {  	s11 =	sadd.s32 $0xB0, s3;
	s13 =	sadd.s32 $0xFFFFFF00, s12  }
0x128: {  	s1 =	sand.u32 $0x1FF00, s13;
	s0 =	sand.u32 $0x70, s11;
	v1 =	vadd.f32 v1, v3;
	v2 =	vld.idx.msk [tilespmem:v2+s2+$0x0], $0xffff  }
0x129: {  	s4 =	sadd.s32 $0x1770, s10;
	s0 =	sor.u32 s0, s1;
	s1 =	sadd.s32 $0x140, s12;
	v0 =	vld.idx.msk [tilespmem:v0+s2+$0x0], $0xffff  }
0x12a: {  	s15 =	sadd.s32 $0xA0, s4;
	s16 =	sadd.s32 $0xF0, s4;
	s7 =	sadd.s32 $0xFFFFFEE0, s1;
	[tilespmem:s31+$0x0] =	vst v1  }
0x12b: {  	s6 =	sand.u32 $0x70, s15;
	s14 =	sadd.s32 $0xFFFFFF80, s1;
	s7 =	sand.u32 $0xFF00, s7;
	v1 =	vld [tilespmem:s0+$0x5100]  }
0x12c: {  	s17 =	sand.u32 $0x70, s16;
	s5 =	sand.u32 $0x1FF00, s14;
	s6 =	sor.u32 s6, s7;
	v3 =	vld [tilespmem:s0+$0x5080]  }
0x12d: {  	v4 =	vld [tilespmem:s6+$0x5080];
	s0 =	sor.u32 s17, s5  }
0x12e: {  	s18 =	sadd.s32 $0x110, s3;
	s19 =	sadd.s32 $0xFFFFFFC0, s12;
	v5 =	vld [tilespmem:s0+$0x5080];
	v0 =	vadd.f32 v0, v2  }
0x12f: {  	s20 =	sand.u32 $0x3FF00, s19;
	s5 =	sand.u32 $0x70, s18;
	v2 =	vld [tilespmem:s0+$0x5100]  }
0x130: {  	v1 =	vadd.s32 $0x2710, v1;
	s0 =	sor.u32 s5, s20;
	[tilespmem:s31+$0x60] =	vst v0;
	v0 =	vld [tilespmem:s6+$0x5100]  }
0x131: {  	v6 =	vld [tilespmem:s0+$0x5100];
	_ =	sdelay $0x1  }
0x132: {  	v7 =	vld [tilespmem:s0+$0x5080]  }
0x133: {  	v3 =	vld.idx.msk [tilespmem:v3+s2+$0x0], $0xffff;
	v2 =	vadd.s32 $0x2710, v2  }
0x134: {  	v1 =	vld.idx.msk [tilespmem:v1+s2+$0x0], $0xffff;
	v0 =	vadd.s32 $0x2710, v0  }
0x135: {  	v6 =	vadd.s32 $0x2710, v6  }
0x136: {  	v4 =	vld.idx.msk [tilespmem:v4+s2+$0x0], $0xffff  }
0x137: {  	v5 =	vld.idx.msk [tilespmem:v5+s2+$0x0], $0xffff  }
0x138: {  	v2 =	vld.idx.msk [tilespmem:v2+s2+$0x0], $0xffff  }
0x139: {  	s21 =	sadd.s32 $0xC0, s3;
	s22 =	sadd.s32 $0xFFFFFF20, s12;
	v1 =	vadd.f32 v1, v3;
	v0 =	vld.idx.msk [tilespmem:v0+s2+$0x0], $0xffff  }
0x13a: {  	s5 =	sand.u32 $0x1FF00, s22;
	s0 =	sand.u32 $0x70, s21;
	v3 =	vld.idx.msk [tilespmem:v6+s2+$0x0], $0xffff  }
0x13b: {  	s5 =	sor.u32 s0, s5;
	[tilespmem:s31+$0x10] =	vst v1;
	v6 =	vld.idx.msk [tilespmem:v7+s2+$0x0], $0xffff  }
0x13c: {  	v1 =	vld [tilespmem:s5+$0x5100]  }
0x13d: {  	s24 =	sadd.s32 $0x100, s4;
	s25 =	sadd.s32 $0xFFFFFFA0, s1;
	v2 =	vadd.f32 v2, v5  }
0x13e: {  	s26 =	sand.u32 $0x70, s24;
	s7 =	sand.u32 $0x3FF00, s25;
	s0 =	simm.s32 $0xB790  }
0x13f: {  	s9 =	sadd.s32 $0xB0, s4;
	s28 =	sadd.s32 $0xFFFFFF00, s1;
	s7 =	sor.u32 s26, s7;
	v5 =	vld [tilespmem:s5+$0x5080];
	v0 =	vadd.f32 v0, v4;
	[tilespmem:s0+$0x50] =	vst v2  }
0x140: {  	s29 =	sand.u32 $0x70, s9;
	s5 =	sand.u32 $0x1FF00, s28;
	v2 =	vld [tilespmem:s7+$0x5100]  }
0x141: {  	s23 =	sadd.s32 $0x120, s3;
	s30 =	sadd.s32 $0xFFFFFFE0, s12;
	s5 =	sor.u32 s29, s5;
	v3 =	vadd.f32 v3, v6;
	v1 =	vadd.s32 $0x2710, v1;
	[tilespmem:s0+$0x0] =	vst v0;
	v0 =	vld [tilespmem:s7+$0x5080]  }
0x142: {  	s11 =	sand.u32 $0x3FF00, s30;
	s6 =	sand.u32 $0x70, s23;
	v4 =	vld [tilespmem:s5+$0x5100]  }
0x143: {  	s6 =	sor.u32 s6, s11;
	[tilespmem:s31+$0x70] =	vst v3;
	v7 =	vld [tilespmem:s5+$0x5080]  }
0x144: {  	v3 =	vld [tilespmem:s6+$0x5100]  }
0x145: {  	v6 =	vld [tilespmem:s6+$0x5080]  }
0x146: {  	v2 =	vadd.s32 $0x2710, v2;
	v1 =	vld.idx.msk [tilespmem:v1+s2+$0x0], $0xffff  }
0x147: {  	v5 =	vld.idx.msk [tilespmem:v5+s2+$0x0], $0xffff  }
0x148: {  	s22 =	sadd.s32 $0x140, s1;
	s7 =	sadd.s32 $0x1810, s10  }
0x149: {  	s14 =	sadd.s32 $0xFFFFFEE0, s22;
	s13 =	sadd.s32 $0xA0, s7  }
0x14a: {  	s5 =	sand.u32 $0x70, s13;
	s6 =	sand.u32 $0xFF00, s14;
	v4 =	vadd.s32 $0x2710, v4;
	v0 =	vld.idx.msk [tilespmem:v0+s2+$0x0], $0xffff  }
0x14b: {  	s5 =	sor.u32 s5, s6;
	v3 =	vadd.s32 $0x2710, v3;
	v2 =	vld.idx.msk [tilespmem:v2+s2+$0x0], $0xffff  }
0x14c: {  	v1 =	vadd.f32 v1, v5;
	v5 =	vld [tilespmem:s5+$0x5080]  }
0x14d: {  	v7 =	vld.idx.msk [tilespmem:v7+s2+$0x0], $0xffff  }
0x14e: {  	s16 =	sadd.s32 $0xFFFFFF80, s22;
	s10 =	sadd.s32 $0xF0, s7;
	v6 =	vld.idx.msk [tilespmem:v6+s2+$0x0], $0xffff  }
0x14f: {  	s9 =	sand.u32 $0x1FF00, s16;
	s10 =	sand.u32 $0x70, s10;
	v4 =	vld.idx.msk [tilespmem:v4+s2+$0x0], $0xffff  }
0x150: {  	s15 =	sadd.s32 $0xD0, s3;
	s17 =	sadd.s32 $0xFFFFFF40, s12;
	s9 =	sor.u32 s10, s9;
	v3 =	vld.idx.msk [tilespmem:v3+s2+$0x0], $0xffff  }
0x151: {  	s8 =	sand.u32 $0x70, s15;
	s6 =	sand.u32 $0x1FF00, s17;
	v9 =	vld [tilespmem:s9+$0x5100]  }
0x152: {  	s19 =	sadd.s32 $0xFFFFFFC0, s1;
	s18 =	sadd.s32 $0x110, s4;
	s6 =	sor.u32 s8, s6;
	[tilespmem:s31+$0x20] =	vst v1;
	v1 =	vld [tilespmem:s9+$0x5080];
	v0 =	vadd.f32 v2, v0  }
0x153: {  	s10 =	sand.u32 $0x3FF00, s19;
	s8 =	sand.u32 $0x70, s18;
	v8 =	vld [tilespmem:s6+$0x5080]  }
0x154: {  	s8 =	sor.u32 s8, s10;
	v2 =	vld [tilespmem:s6+$0x5100];
	[tilespmem:s0+$0x60] =	vst v0  }
0x155: {  	v4 =	vadd.f32 v4, v7;
	v0 =	vadd.f32 v3, v6;
	v3 =	vld [tilespmem:s8+$0x5100]  }
0x156: {  	s24 =	sadd.s32 $0xFFFFFF20, s1;
	s23 =	sadd.s32 $0xC0, s4;
	s21 =	simm.s32 $0x1770;
	v6 =	vld [tilespmem:s5+$0x5100]  }
0x157: {  	s10 =	sand.u32 $0x70, s23;
	s9 =	sand.u32 $0x3FF0, s21;
	v7 =	vadd.s32 $0x2710, v9;
	s5 =	sand.u32 $0x1FF00, s24;
	v5 =	vld.idx.msk [tilespmem:v5+s2+$0x0], $0xffff;
	[tilespmem:s0+$0x10] =	vst v4  }
0x158: {  	s20 =	sadd.s32 $0x130, s3;
	s5 =	sor.u32 s10, s5;
	[tilespmem:s9+$0xA000] =	vst v0;
	v0 =	vld [tilespmem:s8+$0x5080]  }
0x159: {  	s25 =	sand.u32 $0x3FF00, s12;
	s6 =	sand.u32 $0x70, s20;
	v2 =	vadd.s32 $0x2710, v2;
	v9 =	vld [tilespmem:s5+$0x5100]  }
0x15a: {  	s6 =	sor.u32 s6, s25;
	v1 =	vld.idx.msk [tilespmem:v1+s2+$0x0], $0xffff  }
0x15b: {  	v4 =	vld [tilespmem:s6+$0x5100];
	v6 =	vadd.s32 $0x2710, v6  }
0x15c: {  	v7 =	vld.idx.msk [tilespmem:v7+s2+$0x0], $0xffff;
	v3 =	vadd.s32 $0x2710, v3  }
0x15d: {  	v8 =	vld.idx.msk [tilespmem:v8+s2+$0x0], $0xffff  }
0x15e: {  	v2 =	vld.idx.msk [tilespmem:v2+s2+$0x0], $0xffff;
	v9 =	vadd.s32 $0x2710, v9  }
0x15f: {  	s3 =	sadd.s32 $0xE0, s3;
	v10 =	vld [tilespmem:s5+$0x5080]  }
0x160: {  	s26 =	sadd.s32 $0xFFFFFF60, s12;
	s3 =	sand.u32 $0x70, s3;
	v6 =	vld.idx.msk [tilespmem:v6+s2+$0x0], $0xffff  }
0x161: {  	s30 =	sadd.s32 $0xFFFFFFA0, s22;
	s29 =	sadd.s32 $0x100, s7;
	s23 =	simm.s32 $0xB830;
	v4 =	vadd.s32 $0x2710, v4;
	v1 =	vadd.f32 v7, v1;
	v3 =	vld.idx.msk [tilespmem:v3+s2+$0x0], $0xffff  }
0x162: {  	s10 =	sand.u32 $0x3FF00, s30;
	s5 =	sand.u32 $0x1FF00, s26;
	s9 =	sand.u32 $0x70, s29;
	v11 =	vld.idx.msk [tilespmem:v0+s2+$0x0], $0xffff  }
0x163: {  	s3 =	sor.u32 s3, s5;
	s5 =	sor.u32 s9, s10;
	[tilespmem:s23+$0x50] =	vst v1;
	v8 =	vadd.f32 v2, v8;
	v2 =	vld.idx.msk [tilespmem:v9+s2+$0x0], $0xffff  }
0x164: {  	v1 =	vld [tilespmem:s5+$0x5100]  }
0x165: {  	v9 =	vld [tilespmem:s5+$0x5080]  }
0x166: {  	v0 =	vld.idx.msk [tilespmem:v4+s2+$0x0], $0xffff  }
0x167: {  	s15 =	sadd.s32 $0xFFFFFFE0, s1;
	s12 =	sadd.s32 $0xFFFFFF00, s22;
	v4 =	vld [tilespmem:s6+$0x5080]  }
0x168: {  	s16 =	sand.u32 $0x3FF00, s15;
	s28 =	sadd.s32 $0x120, s4;
	s11 =	sadd.s32 $0xB0, s7;
	[tilespmem:s31+$0x30] =	vst v8;
	v8 =	vld.idx.msk [tilespmem:v10+s2+$0x0], $0xffff;
	v5 =	vadd.f32 v6, v5  }
0x169: {  	s13 =	sand.u32 $0x70, s11;
	s14 =	sand.u32 $0x1FF00, s12;
	s11 =	sadd.s32 $0x140, s22;
	v12 =	vld [tilespmem:s3+$0x5100];
	v3 =	vadd.f32 v3, v11  }
0x16a: {  	s17 =	sadd.s32 $0xD0, s4;
	s8 =	sand.u32 $0x70, s28;
	s6 =	sor.u32 s13, s14;
	v6 =	vld [tilespmem:s3+$0x5080];
	[tilespmem:s23+$0x0] =	vst v5  }
0x16b: {  	s18 =	sadd.s32 $0x130, s4;
	s4 =	sadd.s32 $0xE0, s4;
	s8 =	sor.u32 s8, s16;
	[tilespmem:s0+$0x70] =	vst v3;
	v11 =	vld [tilespmem:s6+$0x5100]  }
0x16c: {  	s19 =	sand.u32 $0x70, s17;
	s21 =	sadd.s32 $0x110, s7;
	s25 =	sadd.s32 $0xD0, s7;
	v14 =	vadd.s32 $0x2710, v1;
	v13 =	vld [tilespmem:s8+$0x5100]  }
0x16d: {  	s20 =	sadd.s32 $0xC0, s7;
	s12 =	sand.u32 $0x70, s25;
	s24 =	sadd.s32 $0x120, s7;
	v5 =	vld [tilespmem:s8+$0x5080]  }
0x16e: {  	s26 =	sadd.s32 $0x130, s7;
	s28 =	sadd.s32 $0xE0, s7;
	s29 =	sadd.s32 $0xFFFFFF40, s1;
	v7 =	vld [tilespmem:s6+$0x5080]  }
0x16f: {  	s9 =	sand.u32 $0x70, s18;
	s10 =	simm.s32 $0x18B0;
	s30 =	sand.u32 $0x1FF00, s29;
	v9 =	vld.idx.msk [tilespmem:v9+s2+$0x0], $0xffff  }
0x170: {  	s7 =	sand.u32 $0x70, s26;
	s25 =	sand.u32 $0x70, s28;
	s18 =	sor.u32 s19, s30;
	v1 =	vld.idx.msk [tilespmem:v4+s2+$0x0], $0xffff  }
0x171: {  	s5 =	simm.s32 $0x1810;
	s13 =	sand.u32 $0x70, s21;
	s3 =	sand.u32 $0x70, s4;
	v4 =	vadd.s32 $0x2710, v12;
	v10 =	vld.idx.msk [tilespmem:v14+s2+$0x0], $0xffff  }
0x172: {  	s4 =	simm.s32 $0x18B0;
	s8 =	sand.u32 $0x70, s20;
	s6 =	sand.u32 $0x70, s24;
	v3 =	vld.idx.msk [tilespmem:v6+s2+$0x0], $0xffff;
	v11 =	vadd.s32 $0x2710, v11;
	v6 =	vadd.s32 $0x2710, v13  }
.LBB2_4:
0x173: {  	_ =	sdelay $0x2  }
0x174: {  	s14 =	rddreg [dreg:$0x4];
	v4 =	vld.idx.msk [tilespmem:v4+s2+$0x0], $0xffff  }
0x175: {  	v11 =	vld.idx.msk [tilespmem:v11+s2+$0x0], $0xffff;
	s19 =	sadd.s32 s10, s14  }
0x176: {  	s30 =	sadd.s32 $0xFFFFFF80, s11;
	s16 =	sadd.s32 $0xFFFFFEE0, s11;
	v6 =	vld.idx.msk [tilespmem:v6+s2+$0x0], $0xffff;
	s15 =	sadd.s32 $0xA0, s19  }
0x177: {  	s16 =	sand.u32 $0xFF00, s16;
	s17 =	sadd.s32 $0xF0, s19;
	s15 =	sand.u32 $0x70, s15;
	v7 =	vld.idx.msk [tilespmem:v7+s2+$0x0], $0xffff  }
0x178: {  	s14 =	sand.u32 $0x1FF00, s30;
	s17 =	sand.u32 $0x70, s17;
	v5 =	vld.idx.msk [tilespmem:v5+s2+$0x0], $0xffff;
	s20 =	sor.u32 s15, s16;
	v2 =	vadd.f32 v2, v8  }
0x179: {  	s24 =	sor.u32 s17, s14;
	v8 =	vld [tilespmem:s20+$0x5080]  }
0x17a: {  	s5 =	sand.u32 $0x3FF0, s5;
	s29 =	sadd.s32 $0x120, s19;
	v0 =	vadd.f32 v0, v1;
	v1 =	vld [tilespmem:s24+$0x5080];
	[tilespmem:s0+$0x20] =	vst v2  }
0x17b: {  	s21 =	sadd.s32 $0xB0, s19;
	s17 =	sand.u32 $0x70, s29;
	s29 =	sadd.s32 $0xFFFFFFC0, s22;
	v2 =	vadd.f32 v4, v3;
	v3 =	vld [tilespmem:s18+$0x5100]  }
0x17c: {  	s26 =	sadd.s32 $0xC0, s19;
	s28 =	sadd.s32 $0x110, s19;
	v9 =	vadd.f32 v10, v9;
	s29 =	sand.u32 $0x3FF00, s29;
	[tilespmem:s31+$0x90] =	vst v0;
	v0 =	vld [tilespmem:s18+$0x5080]  }
0x17d: {  	s30 =	sadd.s32 $0x130, s19;
	s13 =	sor.u32 s13, s29;
	s29 =	sadd.s32 $0xFFFFFF20, s22;
	[tilespmem:s31+$0x40] =	vst v2;
	v2 =	vld [tilespmem:s24+$0x5100];
	v7 =	vadd.f32 v11, v7  }
0x17e: {  	s15 =	sand.u32 $0x70, s21;
	s21 =	sand.u32 $0x70, s26;
	[tilespmem:s23+$0x60] =	vst v9;
	v4 =	vadd.f32 v6, v5;
	v6 =	vld [tilespmem:s20+$0x5100];
	s20 =	sand.u32 $0x1FF00, s29  }
0x17f: {  	s26 =	sand.u32 $0x70, s28;
	s28 =	sadd.s32 $0xD0, s19;
	v5 =	vld [tilespmem:s13+$0x5100];
	[tilespmem:s23+$0x10] =	vst v7;
	s20 =	sor.u32 s8, s20  }
0x180: {  	s14 =	sand.u32 $0x70, s28;
	s28 =	sand.u32 $0x70, s30;
	s30 =	sand.u32 $0x3FF00, s1;
	v9 =	vld [tilespmem:s20+$0x5100]  }
0x181: {  	s24 =	sor.u32 s9, s30;
	[tilespmem:s5+$0xA000] =	vst v4;
	v10 =	vld [tilespmem:s20+$0x5080]  }
0x182: {  	v3 =	vadd.s32 $0x2710, v3;
	v7 =	vld [tilespmem:s24+$0x5100]  }
0x183: {  	v4 =	vld [tilespmem:s13+$0x5080];
	v2 =	vadd.s32 $0x2710, v2  }
0x184: {  	v1 =	vld.idx.msk [tilespmem:v1+s2+$0x0], $0xffff;
	v6 =	vadd.s32 $0x2710, v6  }
0x185: {  	v8 =	vld.idx.msk [tilespmem:v8+s2+$0x0], $0xffff;
	v5 =	vadd.s32 $0x2710, v5  }
0x186: {  	v0 =	vld.idx.msk [tilespmem:v0+s2+$0x0], $0xffff  }
0x187: {  	v3 =	vld.idx.msk [tilespmem:v3+s2+$0x0], $0xffff;
	v7 =	vadd.s32 $0x2710, v7  }
0x188: {  	v9 =	vadd.s32 $0x2710, v9;
	v2 =	vld.idx.msk [tilespmem:v2+s2+$0x0], $0xffff  }
0x189: {  	v6 =	vld.idx.msk [tilespmem:v6+s2+$0x0], $0xffff  }
0x18a: {  	s16 =	sadd.s32 $0x100, s19;
	v5 =	vld.idx.msk [tilespmem:v5+s2+$0x0], $0xffff  }
0x18b: {  	s19 =	sadd.s32 $0xE0, s19;
	s16 =	sand.u32 $0x70, s16;
	v4 =	vld.idx.msk [tilespmem:v4+s2+$0x0], $0xffff  }
0x18c: {  	s18 =	sand.u32 $0x70, s19;
	s9 =	smov.u32 s7;
	s20 =	sadd.s32 $0xFFFFFF60, s1;
	v3 =	vadd.f32 v3, v0;
	v0 =	vld.idx.msk [tilespmem:v7+s2+$0x0], $0xffff  }
0x18d: {  	s31 =	smov.u32 s0;
	s0 =	smov.u32 s23;
	s19 =	sand.u32 $0x1FF00, s20;
	v1 =	vadd.f32 v2, v1;
	v2 =	vld.idx.msk [tilespmem:v9+s2+$0x0], $0xffff  }
0x18e: {  	s8 =	smov.u32 s21;
	s21 =	sadd.s32 $0xFFFFFFA0, s11;
	s19 =	sor.u32 s3, s19;
	[tilespmem:s31+$0x30] =	vst v3;
	v3 =	vld [tilespmem:s24+$0x5080]  }
0x18f: {  	s23 =	sadd.s32 $0xA0, s23;
	s1 =	smov.u32 s22;
	s20 =	sand.u32 $0x3FF00, s21;
	v6 =	vadd.f32 v6, v8;
	v8 =	vld [tilespmem:s19+$0x5100]  }
0x190: {  	s13 =	smov.u32 s26;
	s26 =	sadd.s32 $0xFFFFFF00, s11;
	s16 =	sor.u32 s16, s20;
	[tilespmem:s23+$0x50] =	vst v1;
	v9 =	vld [tilespmem:s19+$0x5080]  }
0x191: {  	s3 =	smov.u32 s25;
	s25 =	smov.u32 s18;
	s18 =	sand.u32 $0x1FF00, s26;
	v1 =	vld [tilespmem:s16+$0x5100]  }
0x192: {  	s7 =	smov.u32 s28;
	s28 =	sadd.s32 $0xFFFFFFE0, s1;
	s15 =	sor.u32 s15, s18;
	v4 =	vadd.f32 v5, v4;
	[tilespmem:s23+$0x0] =	vst v6;
	v6 =	vld [tilespmem:s16+$0x5080]  }
0x193: {  	s29 =	sand.u32 $0x3FF00, s28;
	v11 =	vld [tilespmem:s15+$0x5100]  }
0x194: {  	s16 =	sor.u32 s6, s29;
	[tilespmem:s0+$0x70] =	vst v4;
	v7 =	vld [tilespmem:s15+$0x5080]  }
0x195: {  	s10 =	sadd.s32 $0xA0, s10;
	v12 =	vld [tilespmem:s16+$0x5100]  }
0x196: {  	p0 =	slt.u32 s10, $0x2670;
	v5 =	vld [tilespmem:s16+$0x5080];
	v13 =	vadd.s32 $0x2710, v1  }
.Ltmp1:
0x197: {  	v4 =	vadd.s32 $0x2710, v8;
	v8 =	vld.idx.msk [tilespmem:v10+s2+$0x0], $0xffff;
	(pc) =	sbr.rel @p0 .LBB2_4-.Ltmp1, $4  }
0x198: {  	v1 =	vld.idx.msk [tilespmem:v3+s2+$0x0], $0xffff  }
0x199: {  	s5 =	smov.u32 s4;
	s4 =	smov.u32 s10;
	s30 =	sadd.s32 $0xFFFFFF40, s1;
	v3 =	vld.idx.msk [tilespmem:v9+s2+$0x0], $0xffff  }
0x19a: {  	s22 =	smov.u32 s11;
	s11 =	sadd.s32 $0x140, s11;
	s15 =	sand.u32 $0x1FF00, s30;
	v9 =	vld.idx.msk [tilespmem:v6+s2+$0x0], $0xffff  }
0x19b: {  	s6 =	smov.u32 s17;
	s18 =	sor.u32 s12, s15;
	s12 =	smov.u32 s14;
	v11 =	vadd.s32 $0x2710, v11;
	v6 =	vadd.s32 $0x2710, v12;
	v10 =	vld.idx.msk [tilespmem:v13+s2+$0x0], $0xffff  }
0x19c: {  	_ =	sdelay $0x3  }
0x19d: {  	v11 =	vld.idx.msk [tilespmem:v11+s2+$0x0], $0xffff  }
0x19e: {  	v7 =	vld.idx.msk [tilespmem:v7+s2+$0x0], $0xffff;
	_ =	sdelay $0x2  }
0x19f: {  	s10 =	sadd.s32 $0xFFFFFFC0, s22;
	v9 =	vadd.f32 v10, v9  }
0x1a0: {  	s10 =	sand.u32 $0x3FF00, s10  }
0x1a1: {  	s11 =	sadd.s32 $0xFFFFFF20, s22;
	s10 =	sor.u32 s13, s10;
	v7 =	vadd.f32 v11, v7;
	[tilespmem:s23+$0x60] =	vst v9  }
0x1a2: {  	s11 =	sand.u32 $0x1FF00, s11;
	v9 =	vld [tilespmem:s10+$0x5100]  }
0x1a3: {  	s8 =	sor.u32 s8, s11;
	[tilespmem:s23+$0x10] =	vst v7;
	v44 =	vld [tilespmem:s10+$0x5080]  }
0x1a4: {  	v7 =	vld [tilespmem:s8+$0x5100]  }
0x1a5: {  	v45 =	vld [tilespmem:s8+$0x5080];
	_ =	sdelay $0x1  }
0x1a6: {  	v9 =	vadd.s32 $0x2710, v9;
	_ =	sdelay $0x1  }
0x1a7: {  	v7 =	vadd.s32 $0x2710, v7;
	_ =	sdelay $0x1  }
0x1a8: {  	v10 =	vld.idx.msk [tilespmem:v44+s2+$0x0], $0xffff  }
0x1a9: {  	v9 =	vld.idx.msk [tilespmem:v9+s2+$0x0], $0xffff  }
0x1aa: {  	v46 =	vld.idx.msk [tilespmem:v45+s2+$0x0], $0xffff  }
0x1ab: {  	v2 =	vadd.f32 v2, v8;
	v7 =	vld.idx.msk [tilespmem:v7+s2+$0x0], $0xffff;
	_ =	sdelay $0x1  }
0x1ac: {  	[tilespmem:s0+$0x20] =	vst v2  }
0x1ad: {  	s13 =	sadd.s32 $0xFFFFFFE0, s22;
	v2 =	vld [tilespmem:s18+$0x5100];
	v9 =	vadd.f32 v9, v10  }
0x1ae: {  	s8 =	sand.u32 $0x3FF00, s13  }
0x1af: {  	s14 =	sadd.s32 $0xFFFFFF40, s22;
	v47 =	vld [tilespmem:s18+$0x5080];
	s6 =	sor.u32 s6, s8;
	v7 =	vadd.f32 v7, v46;
	[tilespmem:s23+$0x70] =	vst v9  }
0x1b0: {  	s8 =	sand.u32 $0x1FF00, s14;
	v48 =	vld [tilespmem:s6+$0x5100]  }
0x1b1: {  	s15 =	sor.u32 s12, s8;
	v9 =	vld [tilespmem:s6+$0x5080];
	[tilespmem:s23+$0x20] =	vst v7  }
0x1b2: {  	v2 =	vadd.s32 $0x2710, v2;
	v7 =	vld [tilespmem:s15+$0x5100]  }
0x1b3: {  	v49 =	vld [tilespmem:s15+$0x5080];
	_ =	sdelay $0x1  }
0x1b4: {  	v5 =	vld.idx.msk [tilespmem:v5+s2+$0x0], $0xffff;
	v8 =	vadd.s32 $0x2710, v48  }
0x1b5: {  	v6 =	vld.idx.msk [tilespmem:v6+s2+$0x0], $0xffff  }
0x1b6: {  	v2 =	vld.idx.msk [tilespmem:v2+s2+$0x0], $0xffff;
	v7 =	vadd.s32 $0x2710, v7  }
0x1b7: {  	v10 =	vld.idx.msk [tilespmem:v47+s2+$0x0], $0xffff  }
0x1b8: {  	v9 =	vld.idx.msk [tilespmem:v9+s2+$0x0], $0xffff  }
0x1b9: {  	v8 =	vld.idx.msk [tilespmem:v8+s2+$0x0], $0xffff  }
0x1ba: {  	v5 =	vadd.f32 v6, v5;
	v51 =	vld.idx.msk [tilespmem:v49+s2+$0x0], $0xffff  }
0x1bb: {  	s5 =	sand.u32 $0x3FF0, s5;
	s16 =	sand.u32 $0x3FF00, s1;
	v50 =	vld.idx.msk [tilespmem:v7+s2+$0x0], $0xffff  }
0x1bc: {  	s17 =	sor.u32 s9, s16;
	s18 =	sadd.s32 $0xFFFFFF60, s1;
	[tilespmem:s5+$0xA000] =	vst v5;
	v2 =	vadd.f32 v2, v10  }
0x1bd: {  	s1 =	sand.u32 $0x1FF00, s18;
	v52 =	vld [tilespmem:s17+$0x5100]  }
0x1be: {  	s1 =	sor.u32 s3, s1;
	v53 =	vld [tilespmem:s17+$0x5080];
	[tilespmem:s0+$0x30] =	vst v2;
	v8 =	vadd.f32 v8, v9  }
0x1bf: {  	s19 =	sand.u32 $0x3FF0, s4;
	s20 =	sand.u32 $0x3FF00, s22;
	v54 =	vld [tilespmem:s1+$0x5100]  }
0x1c0: {  	s24 =	sadd.s32 $0xFFFFFF60, s22;
	s21 =	sor.u32 s7, s20;
	v55 =	vld [tilespmem:s1+$0x5080];
	v5 =	vadd.f32 v50, v51;
	[tilespmem:s19+$0xA000] =	vst v8  }
0x1c1: {  	s3 =	sand.u32 $0x1FF00, s24;
	v8 =	vld [tilespmem:s21+$0x5100]  }
0x1c2: {  	s3 =	sor.u32 s25, s3;
	v56 =	vadd.s32 $0x2710, v52;
	[tilespmem:s23+$0x30] =	vst v5;
	v57 =	vld [tilespmem:s21+$0x5080]  }
0x1c3: {  	v58 =	vld [tilespmem:s3+$0x5100]  }
0x1c4: {  	v59 =	vld [tilespmem:s3+$0x5080]  }
0x1c5: {  	v9 =	vadd.s32 $0x2710, v54  }
0x1c6: {  	v4 =	vld.idx.msk [tilespmem:v4+s2+$0x0], $0xffff  }
0x1c7: {  	v6 =	vld.idx.msk [tilespmem:v56+s2+$0x0], $0xffff  }
0x1c8: {  	v2 =	vld.idx.msk [tilespmem:v53+s2+$0x0], $0xffff;
	v8 =	vadd.s32 $0x2710, v8  }
0x1c9: {  	v10 =	vld.idx.msk [tilespmem:v55+s2+$0x0], $0xffff;
	v7 =	vadd.s32 $0x2710, v58  }
0x1ca: {  	v9 =	vld.idx.msk [tilespmem:v9+s2+$0x0], $0xffff  }
0x1cb: {  	v5 =	vld.idx.msk [tilespmem:v57+s2+$0x0], $0xffff  }
0x1cc: {  	v11 =	vld.idx.msk [tilespmem:v59+s2+$0x0], $0xffff  }
0x1cd: {  	v8 =	vld.idx.msk [tilespmem:v8+s2+$0x0], $0xffff  }
0x1ce: {  	v0 =	vadd.f32 v0, v1;
	v60 =	vld.idx.msk [tilespmem:v7+s2+$0x0], $0xffff  }
0x1cf: {  	v3 =	vadd.f32 v4, v3  }
0x1d0: {  	[tilespmem:s31+$0x90] =	vst v0;
	v61 =	vadd.f32 v6, v2  }
0x1d1: {  	[tilespmem:s31+$0x40] =	vst v3;
	v62 =	vadd.f32 v9, v10  }
0x1d2: {  	[tilespmem:s0+$0x90] =	vst v61;
	v63 =	vadd.f32 v8, v5  }
0x1d3: {  	[tilespmem:s0+$0x40] =	vst v62;
	v1 =	vadd.f32 v60, v11  }
0x1d4: {  	[tilespmem:s23+$0x90] =	vst v63  }
0x1d5: {  	[tilespmem:s23+$0x40] =	vst v1  }
0x1d6: {  	s26 =	simm.s32 $0xB6F0;
	s28 =	simm.s32 $0x3;
	s0 =	rddreg [dreg:$0x1a]  }
0x1d7: {  	[hbm4b:s0+s2] =	stream.linear.scatter [tilespmem:s26], [sflag:$0x3], $0xFA0, $0x38;
	[tilespmem:$0xC700] =	vst v63  }
0x1d8: {  	_ =	swait.ge [sflag:s28], $0xFA0  }
0x1d9: {  	[sflag:s28] =	ssyncset.done $0x0  }
0x1da: {  	s29 =	simm.s32 $0x2;
	[sflag:s28] =	ssyncadd.s32 $0xFFFFF060  }
0x1db: {  	_ =	swait.ge [sflag:s29], $0x1770  }
0x1dc: {  	s30 =	rddreg [dreg:$0x1e]  }
0x1dd: {  	s31 =	rddreg [dreg:$0x1b];
	s3 =	sadd.s32 $0x1, s30  }
0x1de: {  	p0 =	sne.s32 s3, s31  }
.Ltmp2:
0x1df: {  	_ = 	snop;
	(pc) =	sbr.rel @p0 .LBB2_1-.Ltmp2, $3  }
0x1e0: {  	_ =	sdelay $0x1  }
0x1e1: {  	[sflag:s29] =	ssyncset.done $0x0  }
0x1e2: {  	[sflag:s29] =	ssyncadd.s32 $0xFFFFE890  }
0x1e3: {  	_ =	sfence.sel $0x180000  }
0x1e4: {  	[bflag:$0x0] =	sbarrier.arrive $0xFFFF  }
0x1e5: {  	_ =	strace $0x90000047  }
0x1e6: {  	s0 =	stileid.u32;
	[bflag:$0x2] =	sbarrier.arrive $0xFFFF  }
0x1e7: {  	p0 =	sne.s32 s0, $0x0;
	s0 =	rddreg [dreg:$0x3]  }
0x1e8: {  	s0 =	sadd.s32 @!p0 $0x100000, s0  }
0x1e9: {  	[sflag:s0] =	ssyncadd.tile.s32 @!p0 $0x1;
	_ =	shalt  }
.Lfunc_end2:
_tile_overlayer_lowered:
.L_overlay_start_2:
0x1ea: {  	(tag) =	ssettag $0x2  }
0x1eb: {  	s0 =	rddreg [dreg:$0x0];
	s2 =	stileid.u32  }
0x1ec: {  	s1 =	rddreg [dreg:$0x1];
	p0 =	sne.s32 s2, $0x0  }
0x1ed: {  	s3 =	rddreg [dreg:$0x2];
	[bflag:$0x3] =	sbarrier.arrive $0xFFFF;
	s2 =	simm.s32 @!p0 $0x1C03  }
0x1ee: {  	[timem:s3], [sflag:s2] =	dma.local @!p0 [hbm:s0], s1  }
0x1ef: {  	s0 =	simm.s32 @!p0 $0x3  }
0x1f0: {  	_ =	swait.ge @!p0 [sflag:s0], s1  }
0x1f1: {  	s1 =	ssub.s32 @!p0 $0x0, s1;
	[sflag:s0] =	ssyncset.done @!p0 $0x0  }
0x1f2: {  	[sflag:s0] =	ssyncadd.s32 @!p0 s1  }
0x1f3: {  	[bflag:$0x3] =	sbarrier.arrive $0xFFFF  }
0x1f4: {  	_ =	shalt  }

</sc_bundles>
